<compile_context>
chip_gen: v7x
topology: tpu7x:2x2x1
jax: 0.10.2.dev20260603
libtpu: 0.0.44.dev20260713+nightly
codegen_flags: <defaults>
</compile_context>

<pallas_src>
import functools

import jax
import jax.numpy as jnp
from jax import lax
from jax.experimental import pallas as pl
from jax.experimental.pallas import tpu as pltpu
from jax.experimental.pallas import tpu_sc as plsc

N = 10000
E = 320000
D = 128
H = 64
T = 64
G = 64

NC = 2
NS = 16
NW = NC * NS

CHUNK = 128
CH = 80
EPT = CH * CHUNK
EP = NW * EPT
NP = 10112
RPT = NP // NS



NB = 4
LA = 2


def _sc_segsum_body(h_hbm, srcs_hbm, dsts_hbm, zeros_hbm, out_hbm,
                    src_v, dst_v, bufs, gsems, ssems, agg_sh):
    c = lax.axis_index("c")
    s = lax.axis_index("s")
    wid = s * NC + c

    pltpu.sync_copy(srcs_hbm.at[wid], src_v)
    pltpu.sync_copy(dsts_hbm.at[wid], dst_v)

    r0 = s * RPT
    pltpu.sync_copy(zeros_hbm.at[pl.ds(r0, RPT)], agg_sh.at[pl.ds(r0, RPT)])
    plsc.subcore_barrier()

    def start_gather(j, b):
        pltpu.async_copy(h_hbm.at[src_v.at[j]], bufs[b], gsems[b])

    def wait_gather(j, b):
        pltpu.make_async_copy(h_hbm.at[src_v.at[j]], bufs[b], gsems[b]).wait()

    def start_scatter(j, b):
        pltpu.async_copy(bufs[b], agg_sh.at[dst_v.at[j]], ssems[b], add=True)

    def wait_scatter(j, b):
        pltpu.make_async_copy(bufs[b], agg_sh.at[dst_v.at[j]], ssems[b]).wait()

    for j in range(LA):
        start_gather(j, j % NB)

    @pl.loop(0, CH, step=NB)
    def _(jj):
        for b in range(NB):
            j = jj + b
            bg = (b + LA) % NB

            @pl.when(j + LA < CH)
            def _():
                @pl.when(j + LA - NB >= 0)
                def _():
                    wait_scatter(j + LA - NB, bg)
                start_gather(j + LA, bg)

            wait_gather(j, b)
            start_scatter(j, b)

    for k in range(CH - NB, CH):
        wait_scatter(k, k % NB)

    plsc.subcore_barrier()
    pltpu.sync_copy(agg_sh.at[pl.ds(r0, RPT)], out_hbm.at[c, pl.ds(r0, RPT)])


def _sc_segsum(h, srcs, dsts, zeros):
    mesh = plsc.VectorSubcoreMesh(core_axis_name="c", subcore_axis_name="s")
    return pl.kernel(
        _sc_segsum_body,
        out_type=jax.ShapeDtypeStruct((NC, NP, H), jnp.float32),
        mesh=mesh,
        scratch_types=[
            pltpu.VMEM((CH, CHUNK), jnp.int32),
            pltpu.VMEM((CH, CHUNK), jnp.int32),
            [pltpu.VMEM((CHUNK, H), jnp.float32) for _ in range(NB)],
            [pltpu.SemaphoreType.DMA for _ in range(NB)],
            [pltpu.SemaphoreType.DMA for _ in range(NB)],
            pltpu.VMEM_SHARED((NP, H), jnp.float32),
        ],
        compiler_params=pltpu.CompilerParams(use_tc_tiling_on_sc=False),
        name="sc_segsum",
    )(h, srcs, dsts, zeros)



def _bn_relu(z, g, b):
    m = jnp.mean(z, axis=0, keepdims=True)
    d = z - m
    v = jnp.mean(d * d, axis=0, keepdims=True)
    return jnp.maximum(d * lax.rsqrt(v + 1e-5) * g + b, 0.0)


def _stage_first_body(x_ref, w1_ref, w2_ref, wl_ref, vec_ref, h_ref, t_ref):
    x = x_ref[...]
    z = jnp.dot(x, w1_ref[...], preferred_element_type=jnp.float32)
    h = _bn_relu(z + vec_ref[0:1, :], vec_ref[1:2, :], vec_ref[2:3, :])
    z2 = jnp.dot(h, w2_ref[...], preferred_element_type=jnp.float32)
    h2 = _bn_relu(z2 + vec_ref[3:4, :], vec_ref[4:5, :], vec_ref[5:6, :])
    h_ref[...] = h2
    t_ref[...] = jnp.dot(h2, wl_ref[...], preferred_element_type=jnp.float32) + vec_ref[6:7, :]


def _stage_conv_body(hin_ref, a_ref, w1_ref, w2_ref, wl_ref, vec_ref, h_ref, t_ref):
    x = hin_ref[...] + a_ref[0, 0:N, :] + a_ref[1, 0:N, :]
    z = jnp.dot(x, w1_ref[...], preferred_element_type=jnp.float32)
    h = _bn_relu(z + vec_ref[0:1, :], vec_ref[1:2, :], vec_ref[2:3, :])
    z2 = jnp.dot(h, w2_ref[...], preferred_element_type=jnp.float32)
    h2 = _bn_relu(z2 + vec_ref[3:4, :], vec_ref[4:5, :], vec_ref[5:6, :])
    h_ref[...] = h2
    t_ref[...] = jnp.dot(h2, wl_ref[...], preferred_element_type=jnp.float32) + vec_ref[6:7, :]


_STAGE_OUT = (
    jax.ShapeDtypeStruct((N, H), jnp.float32),
    jax.ShapeDtypeStruct((N, T), jnp.float32),
)


def _pack_vecs(mlp, lin):
    return jnp.stack([
        mlp["lin1"]["b"], mlp["bn1"]["g"], mlp["bn1"]["b"],
        mlp["lin2"]["b"], mlp["bn2"]["g"], mlp["bn2"]["b"],
        lin["b"], jnp.zeros((H,), jnp.float32),
    ])


def _stage_first(x, mlp, lin):
    return pl.pallas_call(_stage_first_body, out_shape=_STAGE_OUT)(
        x, mlp["lin1"]["W"].T, mlp["lin2"]["W"].T, lin["W"].T,
        _pack_vecs(mlp, lin))


def _stage_conv(hin, agg, mlp, lin):
    return pl.pallas_call(_stage_conv_body, out_shape=_STAGE_OUT)(
        hin, agg, mlp["lin1"]["W"].T, mlp["lin2"]["W"].T, lin["W"].T,
        _pack_vecs(mlp, lin))



def _pool_body(t_ref, b_ref, o_ref):
    gblk = pl.program_id(0)
    t = t_ref[...].astype(jnp.bfloat16)
    bids = b_ref[...]
    neg = jnp.float32(-jnp.inf).astype(jnp.bfloat16)
    for k in range(8):
        mask = bids == (gblk * 8 + k).astype(jnp.bfloat16)
        m = jnp.max(jnp.where(mask, t, neg), axis=0, keepdims=True)
        o_ref[k:k + 1, :] = m.astype(jnp.float32)


def _pool(t, bids):
    return pl.pallas_call(
        _pool_body,
        grid=(G // 8,),
        in_specs=[
            pl.BlockSpec((N, T), lambda g: (0, 0)),
            pl.BlockSpec((N, T), lambda g: (0, 0)),
        ],
        out_specs=pl.BlockSpec((8, T), lambda g: (g, 0)),
        out_shape=jax.ShapeDtypeStruct((G, T), jnp.float32),
    )(t, bids)



def kernel(x, edge_index, batch, params):
    ei = edge_index.astype(jnp.int32)
    pad = EP - E
    parange = jnp.arange(pad, dtype=jnp.int32)
    src = jnp.concatenate([ei[0], parange % N])
    dst = jnp.concatenate([ei[1], N + parange % (NP - N)])
    srcs = src.reshape(NW, CH, CHUNK)
    dsts = dst.reshape(NW, CH, CHUNK)
    zeros = jnp.zeros((NP, H), jnp.float32)
    bids = jnp.broadcast_to(batch.astype(jnp.bfloat16)[:, None], (N, T))

    p = params
    h, t = _stage_first(x, p["first_h"], p["linears"][0])
    out = _pool(t, bids)
    for i in range(2):
        agg = _sc_segsum(h, srcs, dsts, zeros)
        h, t = _stage_conv(h, agg, p["convs"][i], p["linears"][i + 1])
        out = out + _pool(t, bids)
    return (out, h)

# --- scband reference (transcript-rebuilt; emitter-appended) ---
"""Pipeline reference for scband-gin-21887153341052 (READ-ONLY COPY).

The authoritative reference and input builder live on the scoring server;
editing this copy changes nothing except your own understanding.
"""

import jax, jax.numpy as jnp
import numpy as np

N = 10000
E = 320000
D = 128
H = 64
T = 64
G = 64
EPS = 0.0
N_LAYERS = 3  # embeddings_dim = [64, 64, 64]


def _init_linear(key, din, dout):
    k1, k2 = jax.random.split(key)
    lim = 1.0 / np.sqrt(din)
    W = jax.random.uniform(k1, (dout, din), minval=-lim, maxval=lim, dtype=jnp.float32)
    b = jax.random.uniform(k2, (dout,), minval=-lim, maxval=lim, dtype=jnp.float32)
    return {"W": W, "b": b}


def _init_mlp(key, din, dh):
    k1, k2 = jax.random.split(key)
    return {
        "lin1": _init_linear(k1, din, dh),
        "bn1": {"g": jnp.ones((dh,), jnp.float32), "b": jnp.zeros((dh,), jnp.float32)},
        "lin2": _init_linear(k2, dh, dh),
        "bn2": {"g": jnp.ones((dh,), jnp.float32), "b": jnp.zeros((dh,), jnp.float32)},
    }


def setup_inputs(seed: int = 0) -> dict:
    key = jax.random.key(seed)
    kx, ke, kb, kp = jax.random.split(key, 4)
    x = jax.random.normal(kx, (N, D), dtype=jnp.float32)
    edge_index = jax.random.randint(ke, (2, E), 0, N, dtype=jnp.int64)
    batch = jnp.sort(jax.random.randint(kb, (N,), 0, G, dtype=jnp.int64))
    ks = jax.random.split(kp, 6)
    params = {
        "first_h": _init_mlp(ks[0], D, H),
        "convs": [_init_mlp(ks[1], H, H), _init_mlp(ks[2], H, H)],
        "linears": [_init_linear(ks[3], H, T), _init_linear(ks[4], H, T), _init_linear(ks[5], H, T)],
    }
    return {"x": x, "edge_index": edge_index, "batch": batch, "params": params}


def _lin(p, x):
    return x @ p["W"].T + p["b"]


def _bn(x, p):
    # BatchNorm1d in training mode: biased batch statistics
    m = x.mean(axis=0)
    v = x.var(axis=0)
    return (x - m) / jnp.sqrt(v + 1e-5) * p["g"] + p["b"]


def _mlp(p, x):
    h = jax.nn.relu(_bn(_lin(p["lin1"], x), p["bn1"]))
    h = jax.nn.relu(_bn(_lin(p["lin2"], h), p["bn2"]))
    return h


def _global_max_pool(x, batch):
    return jax.ops.segment_max(x, batch, num_segments=G)


def reference(x, edge_index, batch, params):
    src = edge_index[0]
    dst = edge_index[1]
    # layer 0: first_h MLP + readout
    h = _mlp(params["first_h"], x)
    out = _global_max_pool(_lin(params["linears"][0], h), batch)
    # GINConv layers 1..2
    for i in range(N_LAYERS - 1):
        agg = jax.ops.segment_sum(h[src], dst, num_segments=N)
        h = _mlp(params["convs"][i], (1.0 + EPS) * h + agg)
        out = out + _global_max_pool(_lin(params["linears"][i + 1], h), batch)
    return (out, h)

if __name__ == "__main__":
    import jax
    _d = setup_inputs()
    print(jax.jit(kernel)(*tuple(_d.values())))

</pallas_src>

<mosaic_0001>
#map = affine_map<(d0, d1) -> (0, 0)>
#map1 = affine_map<(d0, d1) -> (0, 0, 0)>
module attributes {stable_mosaic.version = 14 : i64} {
  func.func @sc_segsum(%arg0: i32, %arg1: i32, %arg2: memref<10000x64xf32, #tpu.memory_space<hbm>>, %arg3: memref<32x80x128xi32, #tpu.memory_space<hbm>>, %arg4: memref<32x80x128xi32, #tpu.memory_space<hbm>>, %arg5: memref<10112x64xf32, #tpu.memory_space<hbm>>, %arg6: memref<2x10112x64xf32, #tpu.memory_space<hbm>>, %arg7: memref<80x128xi32, #tpu.memory_space<vmem>>, %arg8: memref<80x128xi32, #tpu.memory_space<vmem>>, %arg9: memref<128x64xf32, #tpu.memory_space<vmem>>, %arg10: memref<128x64xf32, #tpu.memory_space<vmem>>, %arg11: memref<128x64xf32, #tpu.memory_space<vmem>>, %arg12: memref<128x64xf32, #tpu.memory_space<vmem>>, %arg13: memref<!tpu.dma_semaphore, #tpu.memory_space<semaphore_mem>>, %arg14: memref<!tpu.dma_semaphore, #tpu.memory_space<semaphore_mem>>, %arg15: memref<!tpu.dma_semaphore, #tpu.memory_space<semaphore_mem>>, %arg16: memref<!tpu.dma_semaphore, #tpu.memory_space<semaphore_mem>>, %arg17: memref<!tpu.dma_semaphore, #tpu.memory_space<semaphore_mem>>, %arg18: memref<!tpu.dma_semaphore, #tpu.memory_space<semaphore_mem>>, %arg19: memref<!tpu.dma_semaphore, #tpu.memory_space<semaphore_mem>>, %arg20: memref<!tpu.dma_semaphore, #tpu.memory_space<semaphore_mem>>, %arg21: memref<10112x64xf32, #tpu.memory_space<vmem_shared>>) attributes {dimension_semantics = [#tpu.dimension_semantics<core_parallel>, #tpu.dimension_semantics<subcore_parallel>], iteration_bounds = array<i64: 2, 16>, scalar_prefetch = 0 : i64, scratch_operands = 15 : i64, tpu.core_type = #tpu.core_type<sc_vector_subcore>, window_params = [{transform_indices = #map}, {transform_indices = #map1}, {transform_indices = #map1}, {transform_indices = #map}, {transform_indices = #map1}]} {
    %mul3A = arith.constant 2 : i32
    %mul3A_0 = arith.muli %arg1, %mul3A : i32
    %add3A = arith.addi %mul3A_0, %arg0 : i32
    "tpu.region"() ({
      %run_scoped3A = tpu.sem_alloc : memref<!tpu.dma_semaphore, #tpu.memory_space<semaphore_mem>>
      %dma_start3A_48 = arith.constant 0 : i32
      %dma_start3A_49 = arith.constant 0 : i32
      %dma_start3A_50 = tpu.memref_slice %arg3[%add3A, %dma_start3A_48, %dma_start3A_49] : memref<32x80x128xi32, #tpu.memory_space<hbm>> -> memref<1x80x128xi32, #tpu.memory_space<hbm>>
      %dma_start3A_51 = tpu.memref_squeeze %dma_start3A_50 : memref<1x80x128xi32, #tpu.memory_space<hbm>> -> memref<80x128xi32, #tpu.memory_space<hbm>>
      %dma_start3A_52 = arith.constant 0 : i32
      %dma_start3A_53 = arith.constant 0 : i32
      %dma_start3A_54 = tpu.memref_slice %arg3[%add3A, %dma_start3A_52, %dma_start3A_53] : memref<32x80x128xi32, #tpu.memory_space<hbm>> -> memref<1x80x128xi32, #tpu.memory_space<hbm>>
      %dma_start3A_55 = tpu.memref_squeeze %dma_start3A_54 : memref<1x80x128xi32, #tpu.memory_space<hbm>> -> memref<80x128xi32, #tpu.memory_space<hbm>>
      tpu.enqueue_dma source(%dma_start3A_55 : memref<80x128xi32, #tpu.memory_space<hbm>>) target(%arg7 : memref<80x128xi32, #tpu.memory_space<vmem>>) target_semaphore(%run_scoped3A : memref<!tpu.dma_semaphore, #tpu.memory_space<semaphore_mem>>)
      %dma_wait3A_56 = arith.constant 0 : i32
      %dma_wait3A_57 = arith.constant 0 : i32
      %dma_wait3A_58 = tpu.memref_slice %arg3[%add3A, %dma_wait3A_56, %dma_wait3A_57] : memref<32x80x128xi32, #tpu.memory_space<hbm>> -> memref<1x80x128xi32, #tpu.memory_space<hbm>>
      %dma_wait3A_59 = tpu.memref_squeeze %dma_wait3A_58 : memref<1x80x128xi32, #tpu.memory_space<hbm>> -> memref<80x128xi32, #tpu.memory_space<hbm>>
      %dma_wait3A_60 = arith.constant 0 : i32
      %dma_wait3A_61 = arith.constant 0 : i32
      %dma_wait3A_62 = tpu.memref_slice %arg3[%add3A, %dma_wait3A_60, %dma_wait3A_61] : memref<32x80x128xi32, #tpu.memory_space<hbm>> -> memref<1x80x128xi32, #tpu.memory_space<hbm>>
      %dma_wait3A_63 = tpu.memref_squeeze %dma_wait3A_62 : memref<1x80x128xi32, #tpu.memory_space<hbm>> -> memref<80x128xi32, #tpu.memory_space<hbm>>
      tpu.wait_dma2 semaphore(%run_scoped3A : memref<!tpu.dma_semaphore, #tpu.memory_space<semaphore_mem>>) src(%dma_wait3A_63 : memref<80x128xi32, #tpu.memory_space<hbm>>) dst(%arg7 : memref<80x128xi32, #tpu.memory_space<vmem>>)
      tpu.yield
    }) : () -> ()
    "tpu.region"() ({
      %run_scoped3A = tpu.sem_alloc : memref<!tpu.dma_semaphore, #tpu.memory_space<semaphore_mem>>
      %dma_start3A_48 = arith.constant 0 : i32
      %dma_start3A_49 = arith.constant 0 : i32
      %dma_start3A_50 = tpu.memref_slice %arg4[%add3A, %dma_start3A_48, %dma_start3A_49] : memref<32x80x128xi32, #tpu.memory_space<hbm>> -> memref<1x80x128xi32, #tpu.memory_space<hbm>>
      %dma_start3A_51 = tpu.memref_squeeze %dma_start3A_50 : memref<1x80x128xi32, #tpu.memory_space<hbm>> -> memref<80x128xi32, #tpu.memory_space<hbm>>
      %dma_start3A_52 = arith.constant 0 : i32
      %dma_start3A_53 = arith.constant 0 : i32
      %dma_start3A_54 = tpu.memref_slice %arg4[%add3A, %dma_start3A_52, %dma_start3A_53] : memref<32x80x128xi32, #tpu.memory_space<hbm>> -> memref<1x80x128xi32, #tpu.memory_space<hbm>>
      %dma_start3A_55 = tpu.memref_squeeze %dma_start3A_54 : memref<1x80x128xi32, #tpu.memory_space<hbm>> -> memref<80x128xi32, #tpu.memory_space<hbm>>
      tpu.enqueue_dma source(%dma_start3A_55 : memref<80x128xi32, #tpu.memory_space<hbm>>) target(%arg8 : memref<80x128xi32, #tpu.memory_space<vmem>>) target_semaphore(%run_scoped3A : memref<!tpu.dma_semaphore, #tpu.memory_space<semaphore_mem>>)
      %dma_wait3A_56 = arith.constant 0 : i32
      %dma_wait3A_57 = arith.constant 0 : i32
      %dma_wait3A_58 = tpu.memref_slice %arg4[%add3A, %dma_wait3A_56, %dma_wait3A_57] : memref<32x80x128xi32, #tpu.memory_space<hbm>> -> memref<1x80x128xi32, #tpu.memory_space<hbm>>
      %dma_wait3A_59 = tpu.memref_squeeze %dma_wait3A_58 : memref<1x80x128xi32, #tpu.memory_space<hbm>> -> memref<80x128xi32, #tpu.memory_space<hbm>>
      %dma_wait3A_60 = arith.constant 0 : i32
      %dma_wait3A_61 = arith.constant 0 : i32
      %dma_wait3A_62 = tpu.memref_slice %arg4[%add3A, %dma_wait3A_60, %dma_wait3A_61] : memref<32x80x128xi32, #tpu.memory_space<hbm>> -> memref<1x80x128xi32, #tpu.memory_space<hbm>>
      %dma_wait3A_63 = tpu.memref_squeeze %dma_wait3A_62 : memref<1x80x128xi32, #tpu.memory_space<hbm>> -> memref<80x128xi32, #tpu.memory_space<hbm>>
      tpu.wait_dma2 semaphore(%run_scoped3A : memref<!tpu.dma_semaphore, #tpu.memory_space<semaphore_mem>>) src(%dma_wait3A_63 : memref<80x128xi32, #tpu.memory_space<hbm>>) dst(%arg8 : memref<80x128xi32, #tpu.memory_space<vmem>>)
      tpu.yield
    }) : () -> ()
    %mul3A_1 = arith.constant 632 : i32
    %mul3A_2 = arith.muli %arg1, %mul3A_1 : i32
    "tpu.region"() ({
      %run_scoped3A = tpu.sem_alloc : memref<!tpu.dma_semaphore, #tpu.memory_space<semaphore_mem>>
      %dma_start3A_48 = arith.constant 0 : i32
      %dma_start3A_49 = tpu.memref_slice %arg21[%mul3A_2, %dma_start3A_48] : memref<10112x64xf32, #tpu.memory_space<vmem_shared>> -> memref<632x64xf32, #tpu.memory_space<vmem_shared>>
      %dma_start3A_50 = arith.constant 0 : i32
      %dma_start3A_51 = tpu.memref_slice %arg5[%mul3A_2, %dma_start3A_50] : memref<10112x64xf32, #tpu.memory_space<hbm>> -> memref<632x64xf32, #tpu.memory_space<hbm>>
      tpu.enqueue_dma source(%dma_start3A_51 : memref<632x64xf32, #tpu.memory_space<hbm>>) target(%dma_start3A_49 : memref<632x64xf32, #tpu.memory_space<vmem_shared>>) target_semaphore(%run_scoped3A : memref<!tpu.dma_semaphore, #tpu.memory_space<semaphore_mem>>)
      %dma_wait3A_52 = arith.constant 0 : i32
      %dma_wait3A_53 = tpu.memref_slice %arg21[%mul3A_2, %dma_wait3A_52] : memref<10112x64xf32, #tpu.memory_space<vmem_shared>> -> memref<632x64xf32, #tpu.memory_space<vmem_shared>>
      %dma_wait3A_54 = arith.constant 0 : i32
      %dma_wait3A_55 = tpu.memref_slice %arg5[%mul3A_2, %dma_wait3A_54] : memref<10112x64xf32, #tpu.memory_space<hbm>> -> memref<632x64xf32, #tpu.memory_space<hbm>>
      tpu.wait_dma2 semaphore(%run_scoped3A : memref<!tpu.dma_semaphore, #tpu.memory_space<semaphore_mem>>) src(%dma_wait3A_55 : memref<632x64xf32, #tpu.memory_space<hbm>>) dst(%dma_wait3A_53 : memref<632x64xf32, #tpu.memory_space<vmem_shared>>)
      tpu.yield
    }) : () -> ()
    %barrier3A = arith.constant 0 : index
    tpu.barrier barrier_id(%barrier3A)
    %dma_start3A = arith.constant 0 : i32
    %dma_start3A_3 = arith.constant 0 : i32
    %dma_start3A_4 = tpu.memref_slice %arg7[%dma_start3A, %dma_start3A_3] : memref<80x128xi32, #tpu.memory_space<vmem>> -> memref<1x128xi32, #tpu.memory_space<vmem>>
    %dma_start3A_5 = tpu.memref_squeeze %dma_start3A_4 : memref<1x128xi32, #tpu.memory_space<vmem>> -> memref<128xi32, #tpu.memory_space<vmem>>
    %dma_start3A_6 = arith.constant 0 : i32
    %dma_start3A_7 = arith.constant 0 : i32
    %dma_start3A_8 = tpu.memref_slice %arg2[%dma_start3A_6, %dma_start3A_7] : memref<10000x64xf32, #tpu.memory_space<hbm>> -> memref<10000x64xf32, #tpu.memory_space<hbm>>
    tpu.enqueue_indirect_dma source(%dma_start3A_8 : memref<10000x64xf32, #tpu.memory_space<hbm>>) target(%arg9 : memref<128x64xf32, #tpu.memory_space<vmem>>) offsets(%dma_start3A_5 : memref<128xi32, #tpu.memory_space<vmem>>) semaphore(%arg13 : memref<!tpu.dma_semaphore, #tpu.memory_space<semaphore_mem>>)
    %dma_start3A_9 = arith.constant 1 : i32
    %dma_start3A_10 = arith.constant 0 : i32
    %dma_start3A_11 = tpu.memref_slice %arg7[%dma_start3A_9, %dma_start3A_10] : memref<80x128xi32, #tpu.memory_space<vmem>> -> memref<1x128xi32, #tpu.memory_space<vmem>>
    %dma_start3A_12 = tpu.memref_squeeze %dma_start3A_11 : memref<1x128xi32, #tpu.memory_space<vmem>> -> memref<128xi32, #tpu.memory_space<vmem>>
    %dma_start3A_13 = arith.constant 0 : i32
    %dma_start3A_14 = arith.constant 0 : i32
    %dma_start3A_15 = tpu.memref_slice %arg2[%dma_start3A_13, %dma_start3A_14] : memref<10000x64xf32, #tpu.memory_space<hbm>> -> memref<10000x64xf32, #tpu.memory_space<hbm>>
    tpu.enqueue_indirect_dma source(%dma_start3A_15 : memref<10000x64xf32, #tpu.memory_space<hbm>>) target(%arg10 : memref<128x64xf32, #tpu.memory_space<vmem>>) offsets(%dma_start3A_12 : memref<128xi32, #tpu.memory_space<vmem>>) semaphore(%arg14 : memref<!tpu.dma_semaphore, #tpu.memory_space<semaphore_mem>>)
    %scan3A = arith.constant 0 : i32
    %scan3A_16 = arith.constant 20 : i32
    %scan3A_17 = arith.addi %scan3A, %scan3A_16 : i32
    %scan3A_18 = arith.constant 1 : i32
    scf.for %scan3A_48 = %scan3A to %scan3A_17 step %scan3A_18  : i32 {
      %mul3A_49 = arith.constant 4 : i32
      %mul3A_50 = arith.muli %scan3A_48, %mul3A_49 : i32
      %add3A_51 = arith.constant 0 : i32
      %add3A_52 = arith.addi %add3A_51, %mul3A_50 : i32
      %add3A_53 = arith.constant 0 : i32
      %add3A_54 = arith.addi %add3A_52, %add3A_53 : i32
      %add3A_55 = arith.constant 2 : i32
      %add3A_56 = arith.addi %add3A_54, %add3A_55 : i32
      %lt3A = arith.constant 80 : i32
      %lt3A_57 = arith.cmpi slt, %add3A_56, %lt3A : i32
      %convert_element_type3A = arith.extui %lt3A_57 : i1 to i32
      %cond3A = arith.constant 0 : i32
      %cond3A_58 = arith.cmpi ne, %convert_element_type3A, %cond3A : i32
      scf.if %cond3A_58 {
        %add3A_134 = arith.constant 2 : i32
        %add3A_135 = arith.addi %add3A_54, %add3A_134 : i32
        %sub3A = arith.constant 4 : i32
        %sub3A_136 = arith.subi %add3A_135, %sub3A : i32
        %ge3A = arith.constant 0 : i32
        %ge3A_137 = arith.cmpi sge, %sub3A_136, %ge3A : i32
        %convert_element_type3A_138 = arith.extui %ge3A_137 : i1 to i32
        %cond3A_139 = arith.constant 0 : i32
        %cond3A_140 = arith.cmpi ne, %convert_element_type3A_138, %cond3A_139 : i32
        scf.if %cond3A_140 {
          %add3A_149 = arith.constant 2 : i32
          %add3A_150 = arith.addi %add3A_54, %add3A_149 : i32
          %sub3A_151 = arith.constant 4 : i32
          %sub3A_152 = arith.subi %add3A_150, %sub3A_151 : i32
          %dma_wait3A_153 = arith.constant 0 : i32
          %dma_wait3A_154 = tpu.memref_slice %arg8[%sub3A_152, %dma_wait3A_153] : memref<80x128xi32, #tpu.memory_space<vmem>> -> memref<1x128xi32, #tpu.memory_space<vmem>>
          %dma_wait3A_155 = tpu.memref_squeeze %dma_wait3A_154 : memref<1x128xi32, #tpu.memory_space<vmem>> -> memref<128xi32, #tpu.memory_space<vmem>>
          %dma_wait3A_156 = arith.constant 0 : i32
          %dma_wait3A_157 = arith.constant 0 : i32
          %dma_wait3A_158 = tpu.memref_slice %arg21[%dma_wait3A_156, %dma_wait3A_157] : memref<10112x64xf32, #tpu.memory_space<vmem_shared>> -> memref<10112x64xf32, #tpu.memory_space<vmem_shared>>
          tpu.wait_indirect_dma semaphore(%arg19 : memref<!tpu.dma_semaphore, #tpu.memory_space<semaphore_mem>>) src(%arg11 : memref<128x64xf32, #tpu.memory_space<vmem>>) dst(%dma_wait3A_158 : memref<10112x64xf32, #tpu.memory_space<vmem_shared>>)
        } else {
        }
        %add3A_141 = arith.constant 2 : i32
        %add3A_142 = arith.addi %add3A_54, %add3A_141 : i32
        %dma_start3A_143 = arith.constant 0 : i32
        %dma_start3A_144 = tpu.memref_slice %arg7[%add3A_142, %dma_start3A_143] : memref<80x128xi32, #tpu.memory_space<vmem>> -> memref<1x128xi32, #tpu.memory_space<vmem>>
        %dma_start3A_145 = tpu.memref_squeeze %dma_start3A_144 : memref<1x128xi32, #tpu.memory_space<vmem>> -> memref<128xi32, #tpu.memory_space<vmem>>
        %dma_start3A_146 = arith.constant 0 : i32
        %dma_start3A_147 = arith.constant 0 : i32
        %dma_start3A_148 = tpu.memref_slice %arg2[%dma_start3A_146, %dma_start3A_147] : memref<10000x64xf32, #tpu.memory_space<hbm>> -> memref<10000x64xf32, #tpu.memory_space<hbm>>
        tpu.enqueue_indirect_dma source(%dma_start3A_148 : memref<10000x64xf32, #tpu.memory_space<hbm>>) target(%arg11 : memref<128x64xf32, #tpu.memory_space<vmem>>) offsets(%dma_start3A_145 : memref<128xi32, #tpu.memory_space<vmem>>) semaphore(%arg15 : memref<!tpu.dma_semaphore, #tpu.memory_space<semaphore_mem>>)
      } else {
      }
      %dma_wait3A_59 = arith.constant 0 : i32
      %dma_wait3A_60 = tpu.memref_slice %arg7[%add3A_54, %dma_wait3A_59] : memref<80x128xi32, #tpu.memory_space<vmem>> -> memref<1x128xi32, #tpu.memory_space<vmem>>
      %dma_wait3A_61 = tpu.memref_squeeze %dma_wait3A_60 : memref<1x128xi32, #tpu.memory_space<vmem>> -> memref<128xi32, #tpu.memory_space<vmem>>
      %dma_wait3A_62 = arith.constant 0 : i32
      %dma_wait3A_63 = arith.constant 0 : i32
      %dma_wait3A_64 = tpu.memref_slice %arg2[%dma_wait3A_62, %dma_wait3A_63] : memref<10000x64xf32, #tpu.memory_space<hbm>> -> memref<10000x64xf32, #tpu.memory_space<hbm>>
      tpu.wait_indirect_dma semaphore(%arg13 : memref<!tpu.dma_semaphore, #tpu.memory_space<semaphore_mem>>) src(%dma_wait3A_64 : memref<10000x64xf32, #tpu.memory_space<hbm>>) dst(%arg9 : memref<128x64xf32, #tpu.memory_space<vmem>>)
      %dma_start3A_65 = arith.constant 0 : i32
      %dma_start3A_66 = tpu.memref_slice %arg8[%add3A_54, %dma_start3A_65] : memref<80x128xi32, #tpu.memory_space<vmem>> -> memref<1x128xi32, #tpu.memory_space<vmem>>
      %dma_start3A_67 = tpu.memref_squeeze %dma_start3A_66 : memref<1x128xi32, #tpu.memory_space<vmem>> -> memref<128xi32, #tpu.memory_space<vmem>>
      %dma_start3A_68 = arith.constant 0 : i32
      %dma_start3A_69 = arith.constant 0 : i32
      %dma_start3A_70 = tpu.memref_slice %arg21[%dma_start3A_68, %dma_start3A_69] : memref<10112x64xf32, #tpu.memory_space<vmem_shared>> -> memref<10112x64xf32, #tpu.memory_space<vmem_shared>>
      tpu.enqueue_indirect_dma source(%arg9 : memref<128x64xf32, #tpu.memory_space<vmem>>) target(%dma_start3A_70 : memref<10112x64xf32, #tpu.memory_space<vmem_shared>>) offsets(%dma_start3A_67 : memref<128xi32, #tpu.memory_space<vmem>>) semaphore(%arg17 : memref<!tpu.dma_semaphore, #tpu.memory_space<semaphore_mem>>) {add = true}
      %add3A_71 = arith.constant 1 : i32
      %add3A_72 = arith.addi %add3A_52, %add3A_71 : i32
      %add3A_73 = arith.constant 2 : i32
      %add3A_74 = arith.addi %add3A_72, %add3A_73 : i32
      %lt3A_75 = arith.constant 80 : i32
      %lt3A_76 = arith.cmpi slt, %add3A_74, %lt3A_75 : i32
      %convert_element_type3A_77 = arith.extui %lt3A_76 : i1 to i32
      %cond3A_78 = arith.constant 0 : i32
      %cond3A_79 = arith.cmpi ne, %convert_element_type3A_77, %cond3A_78 : i32
      scf.if %cond3A_79 {
        %add3A_134 = arith.constant 2 : i32
        %add3A_135 = arith.addi %add3A_72, %add3A_134 : i32
        %sub3A = arith.constant 4 : i32
        %sub3A_136 = arith.subi %add3A_135, %sub3A : i32
        %ge3A = arith.constant 0 : i32
        %ge3A_137 = arith.cmpi sge, %sub3A_136, %ge3A : i32
        %convert_element_type3A_138 = arith.extui %ge3A_137 : i1 to i32
        %cond3A_139 = arith.constant 0 : i32
        %cond3A_140 = arith.cmpi ne, %convert_element_type3A_138, %cond3A_139 : i32
        scf.if %cond3A_140 {
          %add3A_149 = arith.constant 2 : i32
          %add3A_150 = arith.addi %add3A_72, %add3A_149 : i32
          %sub3A_151 = arith.constant 4 : i32
          %sub3A_152 = arith.subi %add3A_150, %sub3A_151 : i32
          %dma_wait3A_153 = arith.constant 0 : i32
          %dma_wait3A_154 = tpu.memref_slice %arg8[%sub3A_152, %dma_wait3A_153] : memref<80x128xi32, #tpu.memory_space<vmem>> -> memref<1x128xi32, #tpu.memory_space<vmem>>
          %dma_wait3A_155 = tpu.memref_squeeze %dma_wait3A_154 : memref<1x128xi32, #tpu.memory_space<vmem>> -> memref<128xi32, #tpu.memory_space<vmem>>
          %dma_wait3A_156 = arith.constant 0 : i32
          %dma_wait3A_157 = arith.constant 0 : i32
          %dma_wait3A_158 = tpu.memref_slice %arg21[%dma_wait3A_156, %dma_wait3A_157] : memref<10112x64xf32, #tpu.memory_space<vmem_shared>> -> memref<10112x64xf32, #tpu.memory_space<vmem_shared>>
          tpu.wait_indirect_dma semaphore(%arg20 : memref<!tpu.dma_semaphore, #tpu.memory_space<semaphore_mem>>) src(%arg12 : memref<128x64xf32, #tpu.memory_space<vmem>>) dst(%dma_wait3A_158 : memref<10112x64xf32, #tpu.memory_space<vmem_shared>>)
        } else {
        }
        %add3A_141 = arith.constant 2 : i32
        %add3A_142 = arith.addi %add3A_72, %add3A_141 : i32
        %dma_start3A_143 = arith.constant 0 : i32
        %dma_start3A_144 = tpu.memref_slice %arg7[%add3A_142, %dma_start3A_143] : memref<80x128xi32, #tpu.memory_space<vmem>> -> memref<1x128xi32, #tpu.memory_space<vmem>>
        %dma_start3A_145 = tpu.memref_squeeze %dma_start3A_144 : memref<1x128xi32, #tpu.memory_space<vmem>> -> memref<128xi32, #tpu.memory_space<vmem>>
        %dma_start3A_146 = arith.constant 0 : i32
        %dma_start3A_147 = arith.constant 0 : i32
        %dma_start3A_148 = tpu.memref_slice %arg2[%dma_start3A_146, %dma_start3A_147] : memref<10000x64xf32, #tpu.memory_space<hbm>> -> memref<10000x64xf32, #tpu.memory_space<hbm>>
        tpu.enqueue_indirect_dma source(%dma_start3A_148 : memref<10000x64xf32, #tpu.memory_space<hbm>>) target(%arg12 : memref<128x64xf32, #tpu.memory_space<vmem>>) offsets(%dma_start3A_145 : memref<128xi32, #tpu.memory_space<vmem>>) semaphore(%arg16 : memref<!tpu.dma_semaphore, #tpu.memory_space<semaphore_mem>>)
      } else {
      }
      %dma_wait3A_80 = arith.constant 0 : i32
      %dma_wait3A_81 = tpu.memref_slice %arg7[%add3A_72, %dma_wait3A_80] : memref<80x128xi32, #tpu.memory_space<vmem>> -> memref<1x128xi32, #tpu.memory_space<vmem>>
      %dma_wait3A_82 = tpu.memref_squeeze %dma_wait3A_81 : memref<1x128xi32, #tpu.memory_space<vmem>> -> memref<128xi32, #tpu.memory_space<vmem>>
      %dma_wait3A_83 = arith.constant 0 : i32
      %dma_wait3A_84 = arith.constant 0 : i32
      %dma_wait3A_85 = tpu.memref_slice %arg2[%dma_wait3A_83, %dma_wait3A_84] : memref<10000x64xf32, #tpu.memory_space<hbm>> -> memref<10000x64xf32, #tpu.memory_space<hbm>>
      tpu.wait_indirect_dma semaphore(%arg14 : memref<!tpu.dma_semaphore, #tpu.memory_space<semaphore_mem>>) src(%dma_wait3A_85 : memref<10000x64xf32, #tpu.memory_space<hbm>>) dst(%arg10 : memref<128x64xf32, #tpu.memory_space<vmem>>)
      %dma_start3A_86 = arith.constant 0 : i32
      %dma_start3A_87 = tpu.memref_slice %arg8[%add3A_72, %dma_start3A_86] : memref<80x128xi32, #tpu.memory_space<vmem>> -> memref<1x128xi32, #tpu.memory_space<vmem>>
      %dma_start3A_88 = tpu.memref_squeeze %dma_start3A_87 : memref<1x128xi32, #tpu.memory_space<vmem>> -> memref<128xi32, #tpu.memory_space<vmem>>
      %dma_start3A_89 = arith.constant 0 : i32
      %dma_start3A_90 = arith.constant 0 : i32
      %dma_start3A_91 = tpu.memref_slice %arg21[%dma_start3A_89, %dma_start3A_90] : memref<10112x64xf32, #tpu.memory_space<vmem_shared>> -> memref<10112x64xf32, #tpu.memory_space<vmem_shared>>
      tpu.enqueue_indirect_dma source(%arg10 : memref<128x64xf32, #tpu.memory_space<vmem>>) target(%dma_start3A_91 : memref<10112x64xf32, #tpu.memory_space<vmem_shared>>) offsets(%dma_start3A_88 : memref<128xi32, #tpu.memory_space<vmem>>) semaphore(%arg18 : memref<!tpu.dma_semaphore, #tpu.memory_space<semaphore_mem>>) {add = true}
      %add3A_92 = arith.constant 2 : i32
      %add3A_93 = arith.addi %add3A_52, %add3A_92 : i32
      %add3A_94 = arith.constant 2 : i32
      %add3A_95 = arith.addi %add3A_93, %add3A_94 : i32
      %lt3A_96 = arith.constant 80 : i32
      %lt3A_97 = arith.cmpi slt, %add3A_95, %lt3A_96 : i32
      %convert_element_type3A_98 = arith.extui %lt3A_97 : i1 to i32
      %cond3A_99 = arith.constant 0 : i32
      %cond3A_100 = arith.cmpi ne, %convert_element_type3A_98, %cond3A_99 : i32
      scf.if %cond3A_100 {
        %add3A_134 = arith.constant 2 : i32
        %add3A_135 = arith.addi %add3A_93, %add3A_134 : i32
        %sub3A = arith.constant 4 : i32
        %sub3A_136 = arith.subi %add3A_135, %sub3A : i32
        %ge3A = arith.constant 0 : i32
        %ge3A_137 = arith.cmpi sge, %sub3A_136, %ge3A : i32
        %convert_element_type3A_138 = arith.extui %ge3A_137 : i1 to i32
        %cond3A_139 = arith.constant 0 : i32
        %cond3A_140 = arith.cmpi ne, %convert_element_type3A_138, %cond3A_139 : i32
        scf.if %cond3A_140 {
          %add3A_149 = arith.constant 2 : i32
          %add3A_150 = arith.addi %add3A_93, %add3A_149 : i32
          %sub3A_151 = arith.constant 4 : i32
          %sub3A_152 = arith.subi %add3A_150, %sub3A_151 : i32
          %dma_wait3A_153 = arith.constant 0 : i32
          %dma_wait3A_154 = tpu.memref_slice %arg8[%sub3A_152, %dma_wait3A_153] : memref<80x128xi32, #tpu.memory_space<vmem>> -> memref<1x128xi32, #tpu.memory_space<vmem>>
          %dma_wait3A_155 = tpu.memref_squeeze %dma_wait3A_154 : memref<1x128xi32, #tpu.memory_space<vmem>> -> memref<128xi32, #tpu.memory_space<vmem>>
          %dma_wait3A_156 = arith.constant 0 : i32
          %dma_wait3A_157 = arith.constant 0 : i32
          %dma_wait3A_158 = tpu.memref_slice %arg21[%dma_wait3A_156, %dma_wait3A_157] : memref<10112x64xf32, #tpu.memory_space<vmem_shared>> -> memref<10112x64xf32, #tpu.memory_space<vmem_shared>>
          tpu.wait_indirect_dma semaphore(%arg17 : memref<!tpu.dma_semaphore, #tpu.memory_space<semaphore_mem>>) src(%arg9 : memref<128x64xf32, #tpu.memory_space<vmem>>) dst(%dma_wait3A_158 : memref<10112x64xf32, #tpu.memory_space<vmem_shared>>)
        } else {
        }
        %add3A_141 = arith.constant 2 : i32
        %add3A_142 = arith.addi %add3A_93, %add3A_141 : i32
        %dma_start3A_143 = arith.constant 0 : i32
        %dma_start3A_144 = tpu.memref_slice %arg7[%add3A_142, %dma_start3A_143] : memref<80x128xi32, #tpu.memory_space<vmem>> -> memref<1x128xi32, #tpu.memory_space<vmem>>
        %dma_start3A_145 = tpu.memref_squeeze %dma_start3A_144 : memref<1x128xi32, #tpu.memory_space<vmem>> -> memref<128xi32, #tpu.memory_space<vmem>>
        %dma_start3A_146 = arith.constant 0 : i32
        %dma_start3A_147 = arith.constant 0 : i32
        %dma_start3A_148 = tpu.memref_slice %arg2[%dma_start3A_146, %dma_start3A_147] : memref<10000x64xf32, #tpu.memory_space<hbm>> -> memref<10000x64xf32, #tpu.memory_space<hbm>>
        tpu.enqueue_indirect_dma source(%dma_start3A_148 : memref<10000x64xf32, #tpu.memory_space<hbm>>) target(%arg9 : memref<128x64xf32, #tpu.memory_space<vmem>>) offsets(%dma_start3A_145 : memref<128xi32, #tpu.memory_space<vmem>>) semaphore(%arg13 : memref<!tpu.dma_semaphore, #tpu.memory_space<semaphore_mem>>)
      } else {
      }
      %dma_wait3A_101 = arith.constant 0 : i32
      %dma_wait3A_102 = tpu.memref_slice %arg7[%add3A_93, %dma_wait3A_101] : memref<80x128xi32, #tpu.memory_space<vmem>> -> memref<1x128xi32, #tpu.memory_space<vmem>>
      %dma_wait3A_103 = tpu.memref_squeeze %dma_wait3A_102 : memref<1x128xi32, #tpu.memory_space<vmem>> -> memref<128xi32, #tpu.memory_space<vmem>>
      %dma_wait3A_104 = arith.constant 0 : i32
      %dma_wait3A_105 = arith.constant 0 : i32
      %dma_wait3A_106 = tpu.memref_slice %arg2[%dma_wait3A_104, %dma_wait3A_105] : memref<10000x64xf32, #tpu.memory_space<hbm>> -> memref<10000x64xf32, #tpu.memory_space<hbm>>
      tpu.wait_indirect_dma semaphore(%arg15 : memref<!tpu.dma_semaphore, #tpu.memory_space<semaphore_mem>>) src(%dma_wait3A_106 : memref<10000x64xf32, #tpu.memory_space<hbm>>) dst(%arg11 : memref<128x64xf32, #tpu.memory_space<vmem>>)
      %dma_start3A_107 = arith.constant 0 : i32
      %dma_start3A_108 = tpu.memref_slice %arg8[%add3A_93, %dma_start3A_107] : memref<80x128xi32, #tpu.memory_space<vmem>> -> memref<1x128xi32, #tpu.memory_space<vmem>>
      %dma_start3A_109 = tpu.memref_squeeze %dma_start3A_108 : memref<1x128xi32, #tpu.memory_space<vmem>> -> memref<128xi32, #tpu.memory_space<vmem>>
      %dma_start3A_110 = arith.constant 0 : i32
      %dma_start3A_111 = arith.constant 0 : i32
      %dma_start3A_112 = tpu.memref_slice %arg21[%dma_start3A_110, %dma_start3A_111] : memref<10112x64xf32, #tpu.memory_space<vmem_shared>> -> memref<10112x64xf32, #tpu.memory_space<vmem_shared>>
      tpu.enqueue_indirect_dma source(%arg11 : memref<128x64xf32, #tpu.memory_space<vmem>>) target(%dma_start3A_112 : memref<10112x64xf32, #tpu.memory_space<vmem_shared>>) offsets(%dma_start3A_109 : memref<128xi32, #tpu.memory_space<vmem>>) semaphore(%arg19 : memref<!tpu.dma_semaphore, #tpu.memory_space<semaphore_mem>>) {add = true}
      %add3A_113 = arith.constant 3 : i32
      %add3A_114 = arith.addi %add3A_52, %add3A_113 : i32
      %add3A_115 = arith.constant 2 : i32
      %add3A_116 = arith.addi %add3A_114, %add3A_115 : i32
      %lt3A_117 = arith.constant 80 : i32
      %lt3A_118 = arith.cmpi slt, %add3A_116, %lt3A_117 : i32
      %convert_element_type3A_119 = arith.extui %lt3A_118 : i1 to i32
      %cond3A_120 = arith.constant 0 : i32
      %cond3A_121 = arith.cmpi ne, %convert_element_type3A_119, %cond3A_120 : i32
      scf.if %cond3A_121 {
        %add3A_134 = arith.constant 2 : i32
        %add3A_135 = arith.addi %add3A_114, %add3A_134 : i32
        %sub3A = arith.constant 4 : i32
        %sub3A_136 = arith.subi %add3A_135, %sub3A : i32
        %ge3A = arith.constant 0 : i32
        %ge3A_137 = arith.cmpi sge, %sub3A_136, %ge3A : i32
        %convert_element_type3A_138 = arith.extui %ge3A_137 : i1 to i32
        %cond3A_139 = arith.constant 0 : i32
        %cond3A_140 = arith.cmpi ne, %convert_element_type3A_138, %cond3A_139 : i32
        scf.if %cond3A_140 {
          %add3A_149 = arith.constant 2 : i32
          %add3A_150 = arith.addi %add3A_114, %add3A_149 : i32
          %sub3A_151 = arith.constant 4 : i32
          %sub3A_152 = arith.subi %add3A_150, %sub3A_151 : i32
          %dma_wait3A_153 = arith.constant 0 : i32
          %dma_wait3A_154 = tpu.memref_slice %arg8[%sub3A_152, %dma_wait3A_153] : memref<80x128xi32, #tpu.memory_space<vmem>> -> memref<1x128xi32, #tpu.memory_space<vmem>>
          %dma_wait3A_155 = tpu.memref_squeeze %dma_wait3A_154 : memref<1x128xi32, #tpu.memory_space<vmem>> -> memref<128xi32, #tpu.memory_space<vmem>>
          %dma_wait3A_156 = arith.constant 0 : i32
          %dma_wait3A_157 = arith.constant 0 : i32
          %dma_wait3A_158 = tpu.memref_slice %arg21[%dma_wait3A_156, %dma_wait3A_157] : memref<10112x64xf32, #tpu.memory_space<vmem_shared>> -> memref<10112x64xf32, #tpu.memory_space<vmem_shared>>
          tpu.wait_indirect_dma semaphore(%arg18 : memref<!tpu.dma_semaphore, #tpu.memory_space<semaphore_mem>>) src(%arg10 : memref<128x64xf32, #tpu.memory_space<vmem>>) dst(%dma_wait3A_158 : memref<10112x64xf32, #tpu.memory_space<vmem_shared>>)
        } else {
        }
        %add3A_141 = arith.constant 2 : i32
        %add3A_142 = arith.addi %add3A_114, %add3A_141 : i32
        %dma_start3A_143 = arith.constant 0 : i32
        %dma_start3A_144 = tpu.memref_slice %arg7[%add3A_142, %dma_start3A_143] : memref<80x128xi32, #tpu.memory_space<vmem>> -> memref<1x128xi32, #tpu.memory_space<vmem>>
        %dma_start3A_145 = tpu.memref_squeeze %dma_start3A_144 : memref<1x128xi32, #tpu.memory_space<vmem>> -> memref<128xi32, #tpu.memory_space<vmem>>
        %dma_start3A_146 = arith.constant 0 : i32
        %dma_start3A_147 = arith.constant 0 : i32
        %dma_start3A_148 = tpu.memref_slice %arg2[%dma_start3A_146, %dma_start3A_147] : memref<10000x64xf32, #tpu.memory_space<hbm>> -> memref<10000x64xf32, #tpu.memory_space<hbm>>
        tpu.enqueue_indirect_dma source(%dma_start3A_148 : memref<10000x64xf32, #tpu.memory_space<hbm>>) target(%arg10 : memref<128x64xf32, #tpu.memory_space<vmem>>) offsets(%dma_start3A_145 : memref<128xi32, #tpu.memory_space<vmem>>) semaphore(%arg14 : memref<!tpu.dma_semaphore, #tpu.memory_space<semaphore_mem>>)
      } else {
      }
      %dma_wait3A_122 = arith.constant 0 : i32
      %dma_wait3A_123 = tpu.memref_slice %arg7[%add3A_114, %dma_wait3A_122] : memref<80x128xi32, #tpu.memory_space<vmem>> -> memref<1x128xi32, #tpu.memory_space<vmem>>
      %dma_wait3A_124 = tpu.memref_squeeze %dma_wait3A_123 : memref<1x128xi32, #tpu.memory_space<vmem>> -> memref<128xi32, #tpu.memory_space<vmem>>
      %dma_wait3A_125 = arith.constant 0 : i32
      %dma_wait3A_126 = arith.constant 0 : i32
      %dma_wait3A_127 = tpu.memref_slice %arg2[%dma_wait3A_125, %dma_wait3A_126] : memref<10000x64xf32, #tpu.memory_space<hbm>> -> memref<10000x64xf32, #tpu.memory_space<hbm>>
      tpu.wait_indirect_dma semaphore(%arg16 : memref<!tpu.dma_semaphore, #tpu.memory_space<semaphore_mem>>) src(%dma_wait3A_127 : memref<10000x64xf32, #tpu.memory_space<hbm>>) dst(%arg12 : memref<128x64xf32, #tpu.memory_space<vmem>>)
      %dma_start3A_128 = arith.constant 0 : i32
      %dma_start3A_129 = tpu.memref_slice %arg8[%add3A_114, %dma_start3A_128] : memref<80x128xi32, #tpu.memory_space<vmem>> -> memref<1x128xi32, #tpu.memory_space<vmem>>
      %dma_start3A_130 = tpu.memref_squeeze %dma_start3A_129 : memref<1x128xi32, #tpu.memory_space<vmem>> -> memref<128xi32, #tpu.memory_space<vmem>>
      %dma_start3A_131 = arith.constant 0 : i32
      %dma_start3A_132 = arith.constant 0 : i32
      %dma_start3A_133 = tpu.memref_slice %arg21[%dma_start3A_131, %dma_start3A_132] : memref<10112x64xf32, #tpu.memory_space<vmem_shared>> -> memref<10112x64xf32, #tpu.memory_space<vmem_shared>>
      tpu.enqueue_indirect_dma source(%arg12 : memref<128x64xf32, #tpu.memory_space<vmem>>) target(%dma_start3A_133 : memref<10112x64xf32, #tpu.memory_space<vmem_shared>>) offsets(%dma_start3A_130 : memref<128xi32, #tpu.memory_space<vmem>>) semaphore(%arg20 : memref<!tpu.dma_semaphore, #tpu.memory_space<semaphore_mem>>) {add = true}
    }
    %scan3A_19 = arith.constant 20 : i32
    %dma_wait3A = arith.constant 76 : i32
    %dma_wait3A_20 = arith.constant 0 : i32
    %dma_wait3A_21 = tpu.memref_slice %arg8[%dma_wait3A, %dma_wait3A_20] : memref<80x128xi32, #tpu.memory_space<vmem>> -> memref<1x128xi32, #tpu.memory_space<vmem>>
    %dma_wait3A_22 = tpu.memref_squeeze %dma_wait3A_21 : memref<1x128xi32, #tpu.memory_space<vmem>> -> memref<128xi32, #tpu.memory_space<vmem>>
    %dma_wait3A_23 = arith.constant 0 : i32
    %dma_wait3A_24 = arith.constant 0 : i32
    %dma_wait3A_25 = tpu.memref_slice %arg21[%dma_wait3A_23, %dma_wait3A_24] : memref<10112x64xf32, #tpu.memory_space<vmem_shared>> -> memref<10112x64xf32, #tpu.memory_space<vmem_shared>>
    tpu.wait_indirect_dma semaphore(%arg17 : memref<!tpu.dma_semaphore, #tpu.memory_space<semaphore_mem>>) src(%arg9 : memref<128x64xf32, #tpu.memory_space<vmem>>) dst(%dma_wait3A_25 : memref<10112x64xf32, #tpu.memory_space<vmem_shared>>)
    %dma_wait3A_26 = arith.constant 77 : i32
    %dma_wait3A_27 = arith.constant 0 : i32
    %dma_wait3A_28 = tpu.memref_slice %arg8[%dma_wait3A_26, %dma_wait3A_27] : memref<80x128xi32, #tpu.memory_space<vmem>> -> memref<1x128xi32, #tpu.memory_space<vmem>>
    %dma_wait3A_29 = tpu.memref_squeeze %dma_wait3A_28 : memref<1x128xi32, #tpu.memory_space<vmem>> -> memref<128xi32, #tpu.memory_space<vmem>>
    %dma_wait3A_30 = arith.constant 0 : i32
    %dma_wait3A_31 = arith.constant 0 : i32
    %dma_wait3A_32 = tpu.memref_slice %arg21[%dma_wait3A_30, %dma_wait3A_31] : memref<10112x64xf32, #tpu.memory_space<vmem_shared>> -> memref<10112x64xf32, #tpu.memory_space<vmem_shared>>
    tpu.wait_indirect_dma semaphore(%arg18 : memref<!tpu.dma_semaphore, #tpu.memory_space<semaphore_mem>>) src(%arg10 : memref<128x64xf32, #tpu.memory_space<vmem>>) dst(%dma_wait3A_32 : memref<10112x64xf32, #tpu.memory_space<vmem_shared>>)
    %dma_wait3A_33 = arith.constant 78 : i32
    %dma_wait3A_34 = arith.constant 0 : i32
    %dma_wait3A_35 = tpu.memref_slice %arg8[%dma_wait3A_33, %dma_wait3A_34] : memref<80x128xi32, #tpu.memory_space<vmem>> -> memref<1x128xi32, #tpu.memory_space<vmem>>
    %dma_wait3A_36 = tpu.memref_squeeze %dma_wait3A_35 : memref<1x128xi32, #tpu.memory_space<vmem>> -> memref<128xi32, #tpu.memory_space<vmem>>
    %dma_wait3A_37 = arith.constant 0 : i32
    %dma_wait3A_38 = arith.constant 0 : i32
    %dma_wait3A_39 = tpu.memref_slice %arg21[%dma_wait3A_37, %dma_wait3A_38] : memref<10112x64xf32, #tpu.memory_space<vmem_shared>> -> memref<10112x64xf32, #tpu.memory_space<vmem_shared>>
    tpu.wait_indirect_dma semaphore(%arg19 : memref<!tpu.dma_semaphore, #tpu.memory_space<semaphore_mem>>) src(%arg11 : memref<128x64xf32, #tpu.memory_space<vmem>>) dst(%dma_wait3A_39 : memref<10112x64xf32, #tpu.memory_space<vmem_shared>>)
    %dma_wait3A_40 = arith.constant 79 : i32
    %dma_wait3A_41 = arith.constant 0 : i32
    %dma_wait3A_42 = tpu.memref_slice %arg8[%dma_wait3A_40, %dma_wait3A_41] : memref<80x128xi32, #tpu.memory_space<vmem>> -> memref<1x128xi32, #tpu.memory_space<vmem>>
    %dma_wait3A_43 = tpu.memref_squeeze %dma_wait3A_42 : memref<1x128xi32, #tpu.memory_space<vmem>> -> memref<128xi32, #tpu.memory_space<vmem>>
    %dma_wait3A_44 = arith.constant 0 : i32
    %dma_wait3A_45 = arith.constant 0 : i32
    %dma_wait3A_46 = tpu.memref_slice %arg21[%dma_wait3A_44, %dma_wait3A_45] : memref<10112x64xf32, #tpu.memory_space<vmem_shared>> -> memref<10112x64xf32, #tpu.memory_space<vmem_shared>>
    tpu.wait_indirect_dma semaphore(%arg20 : memref<!tpu.dma_semaphore, #tpu.memory_space<semaphore_mem>>) src(%arg12 : memref<128x64xf32, #tpu.memory_space<vmem>>) dst(%dma_wait3A_46 : memref<10112x64xf32, #tpu.memory_space<vmem_shared>>)
    %barrier3A_47 = arith.constant 0 : index
    tpu.barrier barrier_id(%barrier3A_47)
    "tpu.region"() ({
      %run_scoped3A = tpu.sem_alloc : memref<!tpu.dma_semaphore, #tpu.memory_space<semaphore_mem>>
      %dma_start3A_48 = arith.constant 0 : i32
      %dma_start3A_49 = tpu.memref_slice %arg6[%arg0, %mul3A_2, %dma_start3A_48] : memref<2x10112x64xf32, #tpu.memory_space<hbm>> -> memref<1x632x64xf32, #tpu.memory_space<hbm>>
      %dma_start3A_50 = tpu.memref_squeeze %dma_start3A_49 : memref<1x632x64xf32, #tpu.memory_space<hbm>> -> memref<632x64xf32, #tpu.memory_space<hbm>>
      %dma_start3A_51 = arith.constant 0 : i32
      %dma_start3A_52 = tpu.memref_slice %arg21[%mul3A_2, %dma_start3A_51] : memref<10112x64xf32, #tpu.memory_space<vmem_shared>> -> memref<632x64xf32, #tpu.memory_space<vmem_shared>>
      tpu.enqueue_dma source(%dma_start3A_52 : memref<632x64xf32, #tpu.memory_space<vmem_shared>>) target(%dma_start3A_50 : memref<632x64xf32, #tpu.memory_space<hbm>>) target_semaphore(%run_scoped3A : memref<!tpu.dma_semaphore, #tpu.memory_space<semaphore_mem>>)
      %dma_wait3A_53 = arith.constant 0 : i32
      %dma_wait3A_54 = tpu.memref_slice %arg6[%arg0, %mul3A_2, %dma_wait3A_53] : memref<2x10112x64xf32, #tpu.memory_space<hbm>> -> memref<1x632x64xf32, #tpu.memory_space<hbm>>
      %dma_wait3A_55 = tpu.memref_squeeze %dma_wait3A_54 : memref<1x632x64xf32, #tpu.memory_space<hbm>> -> memref<632x64xf32, #tpu.memory_space<hbm>>
      %dma_wait3A_56 = arith.constant 0 : i32
      %dma_wait3A_57 = tpu.memref_slice %arg21[%mul3A_2, %dma_wait3A_56] : memref<10112x64xf32, #tpu.memory_space<vmem_shared>> -> memref<632x64xf32, #tpu.memory_space<vmem_shared>>
      tpu.wait_dma2 semaphore(%run_scoped3A : memref<!tpu.dma_semaphore, #tpu.memory_space<semaphore_mem>>) src(%dma_wait3A_57 : memref<632x64xf32, #tpu.memory_space<vmem_shared>>) dst(%dma_wait3A_55 : memref<632x64xf32, #tpu.memory_space<hbm>>)
      tpu.yield
    }) : () -> ()
    return
  }
}

#map = affine_map<(d0, d1) -> (0, 0)>
#map1 = affine_map<(d0, d1) -> (0, 0, 0)>
module attributes {stable_mosaic.version = 14 : i64} {
  func.func @sc_segsum(%arg0: i32, %arg1: i32, %arg2: memref<10000x64xf32, #tpu.memory_space<hbm>>, %arg3: memref<32x80x128xi32, #tpu.memory_space<hbm>>, %arg4: memref<32x80x128xi32, #tpu.memory_space<hbm>>, %arg5: memref<10112x64xf32, #tpu.memory_space<hbm>>, %arg6: memref<2x10112x64xf32, #tpu.memory_space<hbm>>, %arg7: memref<80x128xi32, #tpu.memory_space<vmem>>, %arg8: memref<80x128xi32, #tpu.memory_space<vmem>>, %arg9: memref<128x64xf32, #tpu.memory_space<vmem>>, %arg10: memref<128x64xf32, #tpu.memory_space<vmem>>, %arg11: memref<128x64xf32, #tpu.memory_space<vmem>>, %arg12: memref<128x64xf32, #tpu.memory_space<vmem>>, %arg13: memref<!tpu.dma_semaphore, #tpu.memory_space<semaphore_mem>>, %arg14: memref<!tpu.dma_semaphore, #tpu.memory_space<semaphore_mem>>, %arg15: memref<!tpu.dma_semaphore, #tpu.memory_space<semaphore_mem>>, %arg16: memref<!tpu.dma_semaphore, #tpu.memory_space<semaphore_mem>>, %arg17: memref<!tpu.dma_semaphore, #tpu.memory_space<semaphore_mem>>, %arg18: memref<!tpu.dma_semaphore, #tpu.memory_space<semaphore_mem>>, %arg19: memref<!tpu.dma_semaphore, #tpu.memory_space<semaphore_mem>>, %arg20: memref<!tpu.dma_semaphore, #tpu.memory_space<semaphore_mem>>, %arg21: memref<10112x64xf32, #tpu.memory_space<vmem_shared>>) attributes {dimension_semantics = [#tpu.dimension_semantics<core_parallel>, #tpu.dimension_semantics<subcore_parallel>], iteration_bounds = array<i64: 2, 16>, scalar_prefetch = 0 : i64, scratch_operands = 15 : i64, tpu.core_type = #tpu.core_type<sc_vector_subcore>, window_params = [{transform_indices = #map}, {transform_indices = #map1}, {transform_indices = #map1}, {transform_indices = #map}, {transform_indices = #map1}]} {
    %mul3A = arith.constant 2 : i32
    %mul3A_0 = arith.muli %arg1, %mul3A : i32
    %add3A = arith.addi %mul3A_0, %arg0 : i32
    "tpu.region"() ({
      %run_scoped3A = tpu.sem_alloc : memref<!tpu.dma_semaphore, #tpu.memory_space<semaphore_mem>>
      %dma_start3A_48 = arith.constant 0 : i32
      %dma_start3A_49 = arith.constant 0 : i32
      %dma_start3A_50 = tpu.memref_slice %arg3[%add3A, %dma_start3A_48, %dma_start3A_49] : memref<32x80x128xi32, #tpu.memory_space<hbm>> -> memref<1x80x128xi32, #tpu.memory_space<hbm>>
      %dma_start3A_51 = tpu.memref_squeeze %dma_start3A_50 : memref<1x80x128xi32, #tpu.memory_space<hbm>> -> memref<80x128xi32, #tpu.memory_space<hbm>>
      %dma_start3A_52 = arith.constant 0 : i32
      %dma_start3A_53 = arith.constant 0 : i32
      %dma_start3A_54 = tpu.memref_slice %arg3[%add3A, %dma_start3A_52, %dma_start3A_53] : memref<32x80x128xi32, #tpu.memory_space<hbm>> -> memref<1x80x128xi32, #tpu.memory_space<hbm>>
      %dma_start3A_55 = tpu.memref_squeeze %dma_start3A_54 : memref<1x80x128xi32, #tpu.memory_space<hbm>> -> memref<80x128xi32, #tpu.memory_space<hbm>>
      tpu.enqueue_dma source(%dma_start3A_55 : memref<80x128xi32, #tpu.memory_space<hbm>>) target(%arg7 : memref<80x128xi32, #tpu.memory_space<vmem>>) target_semaphore(%run_scoped3A : memref<!tpu.dma_semaphore, #tpu.memory_space<semaphore_mem>>)
      %dma_wait3A_56 = arith.constant 0 : i32
      %dma_wait3A_57 = arith.constant 0 : i32
      %dma_wait3A_58 = tpu.memref_slice %arg3[%add3A, %dma_wait3A_56, %dma_wait3A_57] : memref<32x80x128xi32, #tpu.memory_space<hbm>> -> memref<1x80x128xi32, #tpu.memory_space<hbm>>
      %dma_wait3A_59 = tpu.memref_squeeze %dma_wait3A_58 : memref<1x80x128xi32, #tpu.memory_space<hbm>> -> memref<80x128xi32, #tpu.memory_space<hbm>>
      %dma_wait3A_60 = arith.constant 0 : i32
      %dma_wait3A_61 = arith.constant 0 : i32
      %dma_wait3A_62 = tpu.memref_slice %arg3[%add3A, %dma_wait3A_60, %dma_wait3A_61] : memref<32x80x128xi32, #tpu.memory_space<hbm>> -> memref<1x80x128xi32, #tpu.memory_space<hbm>>
      %dma_wait3A_63 = tpu.memref_squeeze %dma_wait3A_62 : memref<1x80x128xi32, #tpu.memory_space<hbm>> -> memref<80x128xi32, #tpu.memory_space<hbm>>
      tpu.wait_dma2 semaphore(%run_scoped3A : memref<!tpu.dma_semaphore, #tpu.memory_space<semaphore_mem>>) src(%dma_wait3A_63 : memref<80x128xi32, #tpu.memory_space<hbm>>) dst(%arg7 : memref<80x128xi32, #tpu.memory_space<vmem>>)
      tpu.yield
    }) : () -> ()
    "tpu.region"() ({
      %run_scoped3A = tpu.sem_alloc : memref<!tpu.dma_semaphore, #tpu.memory_space<semaphore_mem>>
      %dma_start3A_48 = arith.constant 0 : i32
      %dma_start3A_49 = arith.constant 0 : i32
      %dma_start3A_50 = tpu.memref_slice %arg4[%add3A, %dma_start3A_48, %dma_start3A_49] : memref<32x80x128xi32, #tpu.memory_space<hbm>> -> memref<1x80x128xi32, #tpu.memory_space<hbm>>
      %dma_start3A_51 = tpu.memref_squeeze %dma_start3A_50 : memref<1x80x128xi32, #tpu.memory_space<hbm>> -> memref<80x128xi32, #tpu.memory_space<hbm>>
      %dma_start3A_52 = arith.constant 0 : i32
      %dma_start3A_53 = arith.constant 0 : i32
      %dma_start3A_54 = tpu.memref_slice %arg4[%add3A, %dma_start3A_52, %dma_start3A_53] : memref<32x80x128xi32, #tpu.memory_space<hbm>> -> memref<1x80x128xi32, #tpu.memory_space<hbm>>
      %dma_start3A_55 = tpu.memref_squeeze %dma_start3A_54 : memref<1x80x128xi32, #tpu.memory_space<hbm>> -> memref<80x128xi32, #tpu.memory_space<hbm>>
      tpu.enqueue_dma source(%dma_start3A_55 : memref<80x128xi32, #tpu.memory_space<hbm>>) target(%arg8 : memref<80x128xi32, #tpu.memory_space<vmem>>) target_semaphore(%run_scoped3A : memref<!tpu.dma_semaphore, #tpu.memory_space<semaphore_mem>>)
      %dma_wait3A_56 = arith.constant 0 : i32
      %dma_wait3A_57 = arith.constant 0 : i32
      %dma_wait3A_58 = tpu.memref_slice %arg4[%add3A, %dma_wait3A_56, %dma_wait3A_57] : memref<32x80x128xi32, #tpu.memory_space<hbm>> -> memref<1x80x128xi32, #tpu.memory_space<hbm>>
      %dma_wait3A_59 = tpu.memref_squeeze %dma_wait3A_58 : memref<1x80x128xi32, #tpu.memory_space<hbm>> -> memref<80x128xi32, #tpu.memory_space<hbm>>
      %dma_wait3A_60 = arith.constant 0 : i32
      %dma_wait3A_61 = arith.constant 0 : i32
      %dma_wait3A_62 = tpu.memref_slice %arg4[%add3A, %dma_wait3A_60, %dma_wait3A_61] : memref<32x80x128xi32, #tpu.memory_space<hbm>> -> memref<1x80x128xi32, #tpu.memory_space<hbm>>
      %dma_wait3A_63 = tpu.memref_squeeze %dma_wait3A_62 : memref<1x80x128xi32, #tpu.memory_space<hbm>> -> memref<80x128xi32, #tpu.memory_space<hbm>>
      tpu.wait_dma2 semaphore(%run_scoped3A : memref<!tpu.dma_semaphore, #tpu.memory_space<semaphore_mem>>) src(%dma_wait3A_63 : memref<80x128xi32, #tpu.memory_space<hbm>>) dst(%arg8 : memref<80x128xi32, #tpu.memory_space<vmem>>)
      tpu.yield
    }) : () -> ()
    %mul3A_1 = arith.constant 632 : i32
    %mul3A_2 = arith.muli %arg1, %mul3A_1 : i32
    "tpu.region"() ({
      %run_scoped3A = tpu.sem_alloc : memref<!tpu.dma_semaphore, #tpu.memory_space<semaphore_mem>>
      %dma_start3A_48 = arith.constant 0 : i32
      %dma_start3A_49 = tpu.memref_slice %arg21[%mul3A_2, %dma_start3A_48] : memref<10112x64xf32, #tpu.memory_space<vmem_shared>> -> memref<632x64xf32, #tpu.memory_space<vmem_shared>>
      %dma_start3A_50 = arith.constant 0 : i32
      %dma_start3A_51 = tpu.memref_slice %arg5[%mul3A_2, %dma_start3A_50] : memref<10112x64xf32, #tpu.memory_space<hbm>> -> memref<632x64xf32, #tpu.memory_space<hbm>>
      tpu.enqueue_dma source(%dma_start3A_51 : memref<632x64xf32, #tpu.memory_space<hbm>>) target(%dma_start3A_49 : memref<632x64xf32, #tpu.memory_space<vmem_shared>>) target_semaphore(%run_scoped3A : memref<!tpu.dma_semaphore, #tpu.memory_space<semaphore_mem>>)
      %dma_wait3A_52 = arith.constant 0 : i32
      %dma_wait3A_53 = tpu.memref_slice %arg21[%mul3A_2, %dma_wait3A_52] : memref<10112x64xf32, #tpu.memory_space<vmem_shared>> -> memref<632x64xf32, #tpu.memory_space<vmem_shared>>
      %dma_wait3A_54 = arith.constant 0 : i32
      %dma_wait3A_55 = tpu.memref_slice %arg5[%mul3A_2, %dma_wait3A_54] : memref<10112x64xf32, #tpu.memory_space<hbm>> -> memref<632x64xf32, #tpu.memory_space<hbm>>
      tpu.wait_dma2 semaphore(%run_scoped3A : memref<!tpu.dma_semaphore, #tpu.memory_space<semaphore_mem>>) src(%dma_wait3A_55 : memref<632x64xf32, #tpu.memory_space<hbm>>) dst(%dma_wait3A_53 : memref<632x64xf32, #tpu.memory_space<vmem_shared>>)
      tpu.yield
    }) : () -> ()
    %barrier3A = arith.constant 0 : index
    tpu.barrier barrier_id(%barrier3A)
    %dma_start3A = arith.constant 0 : i32
    %dma_start3A_3 = arith.constant 0 : i32
    %dma_start3A_4 = tpu.memref_slice %arg7[%dma_start3A, %dma_start3A_3] : memref<80x128xi32, #tpu.memory_space<vmem>> -> memref<1x128xi32, #tpu.memory_space<vmem>>
    %dma_start3A_5 = tpu.memref_squeeze %dma_start3A_4 : memref<1x128xi32, #tpu.memory_space<vmem>> -> memref<128xi32, #tpu.memory_space<vmem>>
    %dma_start3A_6 = arith.constant 0 : i32
    %dma_start3A_7 = arith.constant 0 : i32
    %dma_start3A_8 = tpu.memref_slice %arg2[%dma_start3A_6, %dma_start3A_7] : memref<10000x64xf32, #tpu.memory_space<hbm>> -> memref<10000x64xf32, #tpu.memory_space<hbm>>
    tpu.enqueue_indirect_dma source(%dma_start3A_8 : memref<10000x64xf32, #tpu.memory_space<hbm>>) target(%arg9 : memref<128x64xf32, #tpu.memory_space<vmem>>) offsets(%dma_start3A_5 : memref<128xi32, #tpu.memory_space<vmem>>) semaphore(%arg13 : memref<!tpu.dma_semaphore, #tpu.memory_space<semaphore_mem>>)
    %dma_start3A_9 = arith.constant 1 : i32
    %dma_start3A_10 = arith.constant 0 : i32
    %dma_start3A_11 = tpu.memref_slice %arg7[%dma_start3A_9, %dma_start3A_10] : memref<80x128xi32, #tpu.memory_space<vmem>> -> memref<1x128xi32, #tpu.memory_space<vmem>>
    %dma_start3A_12 = tpu.memref_squeeze %dma_start3A_11 : memref<1x128xi32, #tpu.memory_space<vmem>> -> memref<128xi32, #tpu.memory_space<vmem>>
    %dma_start3A_13 = arith.constant 0 : i32
    %dma_start3A_14 = arith.constant 0 : i32
    %dma_start3A_15 = tpu.memref_slice %arg2[%dma_start3A_13, %dma_start3A_14] : memref<10000x64xf32, #tpu.memory_space<hbm>> -> memref<10000x64xf32, #tpu.memory_space<hbm>>
    tpu.enqueue_indirect_dma source(%dma_start3A_15 : memref<10000x64xf32, #tpu.memory_space<hbm>>) target(%arg10 : memref<128x64xf32, #tpu.memory_space<vmem>>) offsets(%dma_start3A_12 : memref<128xi32, #tpu.memory_space<vmem>>) semaphore(%arg14 : memref<!tpu.dma_semaphore, #tpu.memory_space<semaphore_mem>>)
    %scan3A = arith.constant 0 : i32
    %scan3A_16 = arith.constant 20 : i32
    %scan3A_17 = arith.addi %scan3A, %scan3A_16 : i32
    %scan3A_18 = arith.constant 1 : i32
    scf.for %scan3A_48 = %scan3A to %scan3A_17 step %scan3A_18  : i32 {
      %mul3A_49 = arith.constant 4 : i32
      %mul3A_50 = arith.muli %scan3A_48, %mul3A_49 : i32
      %add3A_51 = arith.constant 0 : i32
      %add3A_52 = arith.addi %add3A_51, %mul3A_50 : i32
      %add3A_53 = arith.constant 0 : i32
      %add3A_54 = arith.addi %add3A_52, %add3A_53 : i32
      %add3A_55 = arith.constant 2 : i32
      %add3A_56 = arith.addi %add3A_54, %add3A_55 : i32
      %lt3A = arith.constant 80 : i32
      %lt3A_57 = arith.cmpi slt, %add3A_56, %lt3A : i32
      %convert_element_type3A = arith.extui %lt3A_57 : i1 to i32
      %cond3A = arith.constant 0 : i32
      %cond3A_58 = arith.cmpi ne, %convert_element_type3A, %cond3A : i32
      scf.if %cond3A_58 {
        %add3A_134 = arith.constant 2 : i32
        %add3A_135 = arith.addi %add3A_54, %add3A_134 : i32
        %sub3A = arith.constant 4 : i32
        %sub3A_136 = arith.subi %add3A_135, %sub3A : i32
        %ge3A = arith.constant 0 : i32
        %ge3A_137 = arith.cmpi sge, %sub3A_136, %ge3A : i32
        %convert_element_type3A_138 = arith.extui %ge3A_137 : i1 to i32
        %cond3A_139 = arith.constant 0 : i32
        %cond3A_140 = arith.cmpi ne, %convert_element_type3A_138, %cond3A_139 : i32
        scf.if %cond3A_140 {
          %add3A_149 = arith.constant 2 : i32
          %add3A_150 = arith.addi %add3A_54, %add3A_149 : i32
          %sub3A_151 = arith.constant 4 : i32
          %sub3A_152 = arith.subi %add3A_150, %sub3A_151 : i32
          %dma_wait3A_153 = arith.constant 0 : i32
          %dma_wait3A_154 = tpu.memref_slice %arg8[%sub3A_152, %dma_wait3A_153] : memref<80x128xi32, #tpu.memory_space<vmem>> -> memref<1x128xi32, #tpu.memory_space<vmem>>
          %dma_wait3A_155 = tpu.memref_squeeze %dma_wait3A_154 : memref<1x128xi32, #tpu.memory_space<vmem>> -> memref<128xi32, #tpu.memory_space<vmem>>
          %dma_wait3A_156 = arith.constant 0 : i32
          %dma_wait3A_157 = arith.constant 0 : i32
          %dma_wait3A_158 = tpu.memref_slice %arg21[%dma_wait3A_156, %dma_wait3A_157] : memref<10112x64xf32, #tpu.memory_space<vmem_shared>> -> memref<10112x64xf32, #tpu.memory_space<vmem_shared>>
          tpu.wait_indirect_dma semaphore(%arg19 : memref<!tpu.dma_semaphore, #tpu.memory_space<semaphore_mem>>) src(%arg11 : memref<128x64xf32, #tpu.memory_space<vmem>>) dst(%dma_wait3A_158 : memref<10112x64xf32, #tpu.memory_space<vmem_shared>>)
        } else {
        }
        %add3A_141 = arith.constant 2 : i32
        %add3A_142 = arith.addi %add3A_54, %add3A_141 : i32
        %dma_start3A_143 = arith.constant 0 : i32
        %dma_start3A_144 = tpu.memref_slice %arg7[%add3A_142, %dma_start3A_143] : memref<80x128xi32, #tpu.memory_space<vmem>> -> memref<1x128xi32, #tpu.memory_space<vmem>>
        %dma_start3A_145 = tpu.memref_squeeze %dma_start3A_144 : memref<1x128xi32, #tpu.memory_space<vmem>> -> memref<128xi32, #tpu.memory_space<vmem>>
        %dma_start3A_146 = arith.constant 0 : i32
        %dma_start3A_147 = arith.constant 0 : i32
        %dma_start3A_148 = tpu.memref_slice %arg2[%dma_start3A_146, %dma_start3A_147] : memref<10000x64xf32, #tpu.memory_space<hbm>> -> memref<10000x64xf32, #tpu.memory_space<hbm>>
        tpu.enqueue_indirect_dma source(%dma_start3A_148 : memref<10000x64xf32, #tpu.memory_space<hbm>>) target(%arg11 : memref<128x64xf32, #tpu.memory_space<vmem>>) offsets(%dma_start3A_145 : memref<128xi32, #tpu.memory_space<vmem>>) semaphore(%arg15 : memref<!tpu.dma_semaphore, #tpu.memory_space<semaphore_mem>>)
      } else {
      }
      %dma_wait3A_59 = arith.constant 0 : i32
      %dma_wait3A_60 = tpu.memref_slice %arg7[%add3A_54, %dma_wait3A_59] : memref<80x128xi32, #tpu.memory_space<vmem>> -> memref<1x128xi32, #tpu.memory_space<vmem>>
      %dma_wait3A_61 = tpu.memref_squeeze %dma_wait3A_60 : memref<1x128xi32, #tpu.memory_space<vmem>> -> memref<128xi32, #tpu.memory_space<vmem>>
      %dma_wait3A_62 = arith.constant 0 : i32
      %dma_wait3A_63 = arith.constant 0 : i32
      %dma_wait3A_64 = tpu.memref_slice %arg2[%dma_wait3A_62, %dma_wait3A_63] : memref<10000x64xf32, #tpu.memory_space<hbm>> -> memref<10000x64xf32, #tpu.memory_space<hbm>>
      tpu.wait_indirect_dma semaphore(%arg13 : memref<!tpu.dma_semaphore, #tpu.memory_space<semaphore_mem>>) src(%dma_wait3A_64 : memref<10000x64xf32, #tpu.memory_space<hbm>>) dst(%arg9 : memref<128x64xf32, #tpu.memory_space<vmem>>)
      %dma_start3A_65 = arith.constant 0 : i32
      %dma_start3A_66 = tpu.memref_slice %arg8[%add3A_54, %dma_start3A_65] : memref<80x128xi32, #tpu.memory_space<vmem>> -> memref<1x128xi32, #tpu.memory_space<vmem>>
      %dma_start3A_67 = tpu.memref_squeeze %dma_start3A_66 : memref<1x128xi32, #tpu.memory_space<vmem>> -> memref<128xi32, #tpu.memory_space<vmem>>
      %dma_start3A_68 = arith.constant 0 : i32
      %dma_start3A_69 = arith.constant 0 : i32
      %dma_start3A_70 = tpu.memref_slice %arg21[%dma_start3A_68, %dma_start3A_69] : memref<10112x64xf32, #tpu.memory_space<vmem_shared>> -> memref<10112x64xf32, #tpu.memory_space<vmem_shared>>
      tpu.enqueue_indirect_dma source(%arg9 : memref<128x64xf32, #tpu.memory_space<vmem>>) target(%dma_start3A_70 : memref<10112x64xf32, #tpu.memory_space<vmem_shared>>) offsets(%dma_start3A_67 : memref<128xi32, #tpu.memory_space<vmem>>) semaphore(%arg17 : memref<!tpu.dma_semaphore, #tpu.memory_space<semaphore_mem>>) {add = true}
      %add3A_71 = arith.constant 1 : i32
      %add3A_72 = arith.addi %add3A_52, %add3A_71 : i32
      %add3A_73 = arith.constant 2 : i32
      %add3A_74 = arith.addi %add3A_72, %add3A_73 : i32
      %lt3A_75 = arith.constant 80 : i32
      %lt3A_76 = arith.cmpi slt, %add3A_74, %lt3A_75 : i32
      %convert_element_type3A_77 = arith.extui %lt3A_76 : i1 to i32
      %cond3A_78 = arith.constant 0 : i32
      %cond3A_79 = arith.cmpi ne, %convert_element_type3A_77, %cond3A_78 : i32
      scf.if %cond3A_79 {
        %add3A_134 = arith.constant 2 : i32
        %add3A_135 = arith.addi %add3A_72, %add3A_134 : i32
        %sub3A = arith.constant 4 : i32
        %sub3A_136 = arith.subi %add3A_135, %sub3A : i32
        %ge3A = arith.constant 0 : i32
        %ge3A_137 = arith.cmpi sge, %sub3A_136, %ge3A : i32
        %convert_element_type3A_138 = arith.extui %ge3A_137 : i1 to i32
        %cond3A_139 = arith.constant 0 : i32
        %cond3A_140 = arith.cmpi ne, %convert_element_type3A_138, %cond3A_139 : i32
        scf.if %cond3A_140 {
          %add3A_149 = arith.constant 2 : i32
          %add3A_150 = arith.addi %add3A_72, %add3A_149 : i32
          %sub3A_151 = arith.constant 4 : i32
          %sub3A_152 = arith.subi %add3A_150, %sub3A_151 : i32
          %dma_wait3A_153 = arith.constant 0 : i32
          %dma_wait3A_154 = tpu.memref_slice %arg8[%sub3A_152, %dma_wait3A_153] : memref<80x128xi32, #tpu.memory_space<vmem>> -> memref<1x128xi32, #tpu.memory_space<vmem>>
          %dma_wait3A_155 = tpu.memref_squeeze %dma_wait3A_154 : memref<1x128xi32, #tpu.memory_space<vmem>> -> memref<128xi32, #tpu.memory_space<vmem>>
          %dma_wait3A_156 = arith.constant 0 : i32
          %dma_wait3A_157 = arith.constant 0 : i32
          %dma_wait3A_158 = tpu.memref_slice %arg21[%dma_wait3A_156, %dma_wait3A_157] : memref<10112x64xf32, #tpu.memory_space<vmem_shared>> -> memref<10112x64xf32, #tpu.memory_space<vmem_shared>>
          tpu.wait_indirect_dma semaphore(%arg20 : memref<!tpu.dma_semaphore, #tpu.memory_space<semaphore_mem>>) src(%arg12 : memref<128x64xf32, #tpu.memory_space<vmem>>) dst(%dma_wait3A_158 : memref<10112x64xf32, #tpu.memory_space<vmem_shared>>)
        } else {
        }
        %add3A_141 = arith.constant 2 : i32
        %add3A_142 = arith.addi %add3A_72, %add3A_141 : i32
        %dma_start3A_143 = arith.constant 0 : i32
        %dma_start3A_144 = tpu.memref_slice %arg7[%add3A_142, %dma_start3A_143] : memref<80x128xi32, #tpu.memory_space<vmem>> -> memref<1x128xi32, #tpu.memory_space<vmem>>
        %dma_start3A_145 = tpu.memref_squeeze %dma_start3A_144 : memref<1x128xi32, #tpu.memory_space<vmem>> -> memref<128xi32, #tpu.memory_space<vmem>>
        %dma_start3A_146 = arith.constant 0 : i32
        %dma_start3A_147 = arith.constant 0 : i32
        %dma_start3A_148 = tpu.memref_slice %arg2[%dma_start3A_146, %dma_start3A_147] : memref<10000x64xf32, #tpu.memory_space<hbm>> -> memref<10000x64xf32, #tpu.memory_space<hbm>>
        tpu.enqueue_indirect_dma source(%dma_start3A_148 : memref<10000x64xf32, #tpu.memory_space<hbm>>) target(%arg12 : memref<128x64xf32, #tpu.memory_space<vmem>>) offsets(%dma_start3A_145 : memref<128xi32, #tpu.memory_space<vmem>>) semaphore(%arg16 : memref<!tpu.dma_semaphore, #tpu.memory_space<semaphore_mem>>)
      } else {
      }
      %dma_wait3A_80 = arith.constant 0 : i32
      %dma_wait3A_81 = tpu.memref_slice %arg7[%add3A_72, %dma_wait3A_80] : memref<80x128xi32, #tpu.memory_space<vmem>> -> memref<1x128xi32, #tpu.memory_space<vmem>>
      %dma_wait3A_82 = tpu.memref_squeeze %dma_wait3A_81 : memref<1x128xi32, #tpu.memory_space<vmem>> -> memref<128xi32, #tpu.memory_space<vmem>>
      %dma_wait3A_83 = arith.constant 0 : i32
      %dma_wait3A_84 = arith.constant 0 : i32
      %dma_wait3A_85 = tpu.memref_slice %arg2[%dma_wait3A_83, %dma_wait3A_84] : memref<10000x64xf32, #tpu.memory_space<hbm>> -> memref<10000x64xf32, #tpu.memory_space<hbm>>
      tpu.wait_indirect_dma semaphore(%arg14 : memref<!tpu.dma_semaphore, #tpu.memory_space<semaphore_mem>>) src(%dma_wait3A_85 : memref<10000x64xf32, #tpu.memory_space<hbm>>) dst(%arg10 : memref<128x64xf32, #tpu.memory_space<vmem>>)
      %dma_start3A_86 = arith.constant 0 : i32
      %dma_start3A_87 = tpu.memref_slice %arg8[%add3A_72, %dma_start3A_86] : memref<80x128xi32, #tpu.memory_space<vmem>> -> memref<1x128xi32, #tpu.memory_space<vmem>>
      %dma_start3A_88 = tpu.memref_squeeze %dma_start3A_87 : memref<1x128xi32, #tpu.memory_space<vmem>> -> memref<128xi32, #tpu.memory_space<vmem>>
      %dma_start3A_89 = arith.constant 0 : i32
      %dma_start3A_90 = arith.constant 0 : i32
      %dma_start3A_91 = tpu.memref_slice %arg21[%dma_start3A_89, %dma_start3A_90] : memref<10112x64xf32, #tpu.memory_space<vmem_shared>> -> memref<10112x64xf32, #tpu.memory_space<vmem_shared>>
      tpu.enqueue_indirect_dma source(%arg10 : memref<128x64xf32, #tpu.memory_space<vmem>>) target(%dma_start3A_91 : memref<10112x64xf32, #tpu.memory_space<vmem_shared>>) offsets(%dma_start3A_88 : memref<128xi32, #tpu.memory_space<vmem>>) semaphore(%arg18 : memref<!tpu.dma_semaphore, #tpu.memory_space<semaphore_mem>>) {add = true}
      %add3A_92 = arith.constant 2 : i32
      %add3A_93 = arith.addi %add3A_52, %add3A_92 : i32
      %add3A_94 = arith.constant 2 : i32
      %add3A_95 = arith.addi %add3A_93, %add3A_94 : i32
      %lt3A_96 = arith.constant 80 : i32
      %lt3A_97 = arith.cmpi slt, %add3A_95, %lt3A_96 : i32
      %convert_element_type3A_98 = arith.extui %lt3A_97 : i1 to i32
      %cond3A_99 = arith.constant 0 : i32
      %cond3A_100 = arith.cmpi ne, %convert_element_type3A_98, %cond3A_99 : i32
      scf.if %cond3A_100 {
        %add3A_134 = arith.constant 2 : i32
        %add3A_135 = arith.addi %add3A_93, %add3A_134 : i32
        %sub3A = arith.constant 4 : i32
        %sub3A_136 = arith.subi %add3A_135, %sub3A : i32
        %ge3A = arith.constant 0 : i32
        %ge3A_137 = arith.cmpi sge, %sub3A_136, %ge3A : i32
        %convert_element_type3A_138 = arith.extui %ge3A_137 : i1 to i32
        %cond3A_139 = arith.constant 0 : i32
        %cond3A_140 = arith.cmpi ne, %convert_element_type3A_138, %cond3A_139 : i32
        scf.if %cond3A_140 {
          %add3A_149 = arith.constant 2 : i32
          %add3A_150 = arith.addi %add3A_93, %add3A_149 : i32
          %sub3A_151 = arith.constant 4 : i32
          %sub3A_152 = arith.subi %add3A_150, %sub3A_151 : i32
          %dma_wait3A_153 = arith.constant 0 : i32
          %dma_wait3A_154 = tpu.memref_slice %arg8[%sub3A_152, %dma_wait3A_153] : memref<80x128xi32, #tpu.memory_space<vmem>> -> memref<1x128xi32, #tpu.memory_space<vmem>>
          %dma_wait3A_155 = tpu.memref_squeeze %dma_wait3A_154 : memref<1x128xi32, #tpu.memory_space<vmem>> -> memref<128xi32, #tpu.memory_space<vmem>>
          %dma_wait3A_156 = arith.constant 0 : i32
          %dma_wait3A_157 = arith.constant 0 : i32
          %dma_wait3A_158 = tpu.memref_slice %arg21[%dma_wait3A_156, %dma_wait3A_157] : memref<10112x64xf32, #tpu.memory_space<vmem_shared>> -> memref<10112x64xf32, #tpu.memory_space<vmem_shared>>
          tpu.wait_indirect_dma semaphore(%arg17 : memref<!tpu.dma_semaphore, #tpu.memory_space<semaphore_mem>>) src(%arg9 : memref<128x64xf32, #tpu.memory_space<vmem>>) dst(%dma_wait3A_158 : memref<10112x64xf32, #tpu.memory_space<vmem_shared>>)
        } else {
        }
        %add3A_141 = arith.constant 2 : i32
        %add3A_142 = arith.addi %add3A_93, %add3A_141 : i32
        %dma_start3A_143 = arith.constant 0 : i32
        %dma_start3A_144 = tpu.memref_slice %arg7[%add3A_142, %dma_start3A_143] : memref<80x128xi32, #tpu.memory_space<vmem>> -> memref<1x128xi32, #tpu.memory_space<vmem>>
        %dma_start3A_145 = tpu.memref_squeeze %dma_start3A_144 : memref<1x128xi32, #tpu.memory_space<vmem>> -> memref<128xi32, #tpu.memory_space<vmem>>
        %dma_start3A_146 = arith.constant 0 : i32
        %dma_start3A_147 = arith.constant 0 : i32
        %dma_start3A_148 = tpu.memref_slice %arg2[%dma_start3A_146, %dma_start3A_147] : memref<10000x64xf32, #tpu.memory_space<hbm>> -> memref<10000x64xf32, #tpu.memory_space<hbm>>
        tpu.enqueue_indirect_dma source(%dma_start3A_148 : memref<10000x64xf32, #tpu.memory_space<hbm>>) target(%arg9 : memref<128x64xf32, #tpu.memory_space<vmem>>) offsets(%dma_start3A_145 : memref<128xi32, #tpu.memory_space<vmem>>) semaphore(%arg13 : memref<!tpu.dma_semaphore, #tpu.memory_space<semaphore_mem>>)
      } else {
      }
      %dma_wait3A_101 = arith.constant 0 : i32
      %dma_wait3A_102 = tpu.memref_slice %arg7[%add3A_93, %dma_wait3A_101] : memref<80x128xi32, #tpu.memory_space<vmem>> -> memref<1x128xi32, #tpu.memory_space<vmem>>
      %dma_wait3A_103 = tpu.memref_squeeze %dma_wait3A_102 : memref<1x128xi32, #tpu.memory_space<vmem>> -> memref<128xi32, #tpu.memory_space<vmem>>
      %dma_wait3A_104 = arith.constant 0 : i32
      %dma_wait3A_105 = arith.constant 0 : i32
      %dma_wait3A_106 = tpu.memref_slice %arg2[%dma_wait3A_104, %dma_wait3A_105] : memref<10000x64xf32, #tpu.memory_space<hbm>> -> memref<10000x64xf32, #tpu.memory_space<hbm>>
      tpu.wait_indirect_dma semaphore(%arg15 : memref<!tpu.dma_semaphore, #tpu.memory_space<semaphore_mem>>) src(%dma_wait3A_106 : memref<10000x64xf32, #tpu.memory_space<hbm>>) dst(%arg11 : memref<128x64xf32, #tpu.memory_space<vmem>>)
      %dma_start3A_107 = arith.constant 0 : i32
      %dma_start3A_108 = tpu.memref_slice %arg8[%add3A_93, %dma_start3A_107] : memref<80x128xi32, #tpu.memory_space<vmem>> -> memref<1x128xi32, #tpu.memory_space<vmem>>
      %dma_start3A_109 = tpu.memref_squeeze %dma_start3A_108 : memref<1x128xi32, #tpu.memory_space<vmem>> -> memref<128xi32, #tpu.memory_space<vmem>>
      %dma_start3A_110 = arith.constant 0 : i32
      %dma_start3A_111 = arith.constant 0 : i32
      %dma_start3A_112 = tpu.memref_slice %arg21[%dma_start3A_110, %dma_start3A_111] : memref<10112x64xf32, #tpu.memory_space<vmem_shared>> -> memref<10112x64xf32, #tpu.memory_space<vmem_shared>>
      tpu.enqueue_indirect_dma source(%arg11 : memref<128x64xf32, #tpu.memory_space<vmem>>) target(%dma_start3A_112 : memref<10112x64xf32, #tpu.memory_space<vmem_shared>>) offsets(%dma_start3A_109 : memref<128xi32, #tpu.memory_space<vmem>>) semaphore(%arg19 : memref<!tpu.dma_semaphore, #tpu.memory_space<semaphore_mem>>) {add = true}
      %add3A_113 = arith.constant 3 : i32
      %add3A_114 = arith.addi %add3A_52, %add3A_113 : i32
      %add3A_115 = arith.constant 2 : i32
      %add3A_116 = arith.addi %add3A_114, %add3A_115 : i32
      %lt3A_117 = arith.constant 80 : i32
      %lt3A_118 = arith.cmpi slt, %add3A_116, %lt3A_117 : i32
      %convert_element_type3A_119 = arith.extui %lt3A_118 : i1 to i32
      %cond3A_120 = arith.constant 0 : i32
      %cond3A_121 = arith.cmpi ne, %convert_element_type3A_119, %cond3A_120 : i32
      scf.if %cond3A_121 {
        %add3A_134 = arith.constant 2 : i32
        %add3A_135 = arith.addi %add3A_114, %add3A_134 : i32
        %sub3A = arith.constant 4 : i32
        %sub3A_136 = arith.subi %add3A_135, %sub3A : i32
        %ge3A = arith.constant 0 : i32
        %ge3A_137 = arith.cmpi sge, %sub3A_136, %ge3A : i32
        %convert_element_type3A_138 = arith.extui %ge3A_137 : i1 to i32
        %cond3A_139 = arith.constant 0 : i32
        %cond3A_140 = arith.cmpi ne, %convert_element_type3A_138, %cond3A_139 : i32
        scf.if %cond3A_140 {
          %add3A_149 = arith.constant 2 : i32
          %add3A_150 = arith.addi %add3A_114, %add3A_149 : i32
          %sub3A_151 = arith.constant 4 : i32
          %sub3A_152 = arith.subi %add3A_150, %sub3A_151 : i32
          %dma_wait3A_153 = arith.constant 0 : i32
          %dma_wait3A_154 = tpu.memref_slice %arg8[%sub3A_152, %dma_wait3A_153] : memref<80x128xi32, #tpu.memory_space<vmem>> -> memref<1x128xi32, #tpu.memory_space<vmem>>
          %dma_wait3A_155 = tpu.memref_squeeze %dma_wait3A_154 : memref<1x128xi32, #tpu.memory_space<vmem>> -> memref<128xi32, #tpu.memory_space<vmem>>
          %dma_wait3A_156 = arith.constant 0 : i32
          %dma_wait3A_157 = arith.constant 0 : i32
          %dma_wait3A_158 = tpu.memref_slice %arg21[%dma_wait3A_156, %dma_wait3A_157] : memref<10112x64xf32, #tpu.memory_space<vmem_shared>> -> memref<10112x64xf32, #tpu.memory_space<vmem_shared>>
          tpu.wait_indirect_dma semaphore(%arg18 : memref<!tpu.dma_semaphore, #tpu.memory_space<semaphore_mem>>) src(%arg10 : memref<128x64xf32, #tpu.memory_space<vmem>>) dst(%dma_wait3A_158 : memref<10112x64xf32, #tpu.memory_space<vmem_shared>>)
        } else {
        }
        %add3A_141 = arith.constant 2 : i32
        %add3A_142 = arith.addi %add3A_114, %add3A_141 : i32
        %dma_start3A_143 = arith.constant 0 : i32
        %dma_start3A_144 = tpu.memref_slice %arg7[%add3A_142, %dma_start3A_143] : memref<80x128xi32, #tpu.memory_space<vmem>> -> memref<1x128xi32, #tpu.memory_space<vmem>>
        %dma_start3A_145 = tpu.memref_squeeze %dma_start3A_144 : memref<1x128xi32, #tpu.memory_space<vmem>> -> memref<128xi32, #tpu.memory_space<vmem>>
        %dma_start3A_146 = arith.constant 0 : i32
        %dma_start3A_147 = arith.constant 0 : i32
        %dma_start3A_148 = tpu.memref_slice %arg2[%dma_start3A_146, %dma_start3A_147] : memref<10000x64xf32, #tpu.memory_space<hbm>> -> memref<10000x64xf32, #tpu.memory_space<hbm>>
        tpu.enqueue_indirect_dma source(%dma_start3A_148 : memref<10000x64xf32, #tpu.memory_space<hbm>>) target(%arg10 : memref<128x64xf32, #tpu.memory_space<vmem>>) offsets(%dma_start3A_145 : memref<128xi32, #tpu.memory_space<vmem>>) semaphore(%arg14 : memref<!tpu.dma_semaphore, #tpu.memory_space<semaphore_mem>>)
      } else {
      }
      %dma_wait3A_122 = arith.constant 0 : i32
      %dma_wait3A_123 = tpu.memref_slice %arg7[%add3A_114, %dma_wait3A_122] : memref<80x128xi32, #tpu.memory_space<vmem>> -> memref<1x128xi32, #tpu.memory_space<vmem>>
      %dma_wait3A_124 = tpu.memref_squeeze %dma_wait3A_123 : memref<1x128xi32, #tpu.memory_space<vmem>> -> memref<128xi32, #tpu.memory_space<vmem>>
      %dma_wait3A_125 = arith.constant 0 : i32
      %dma_wait3A_126 = arith.constant 0 : i32
      %dma_wait3A_127 = tpu.memref_slice %arg2[%dma_wait3A_125, %dma_wait3A_126] : memref<10000x64xf32, #tpu.memory_space<hbm>> -> memref<10000x64xf32, #tpu.memory_space<hbm>>
      tpu.wait_indirect_dma semaphore(%arg16 : memref<!tpu.dma_semaphore, #tpu.memory_space<semaphore_mem>>) src(%dma_wait3A_127 : memref<10000x64xf32, #tpu.memory_space<hbm>>) dst(%arg12 : memref<128x64xf32, #tpu.memory_space<vmem>>)
      %dma_start3A_128 = arith.constant 0 : i32
      %dma_start3A_129 = tpu.memref_slice %arg8[%add3A_114, %dma_start3A_128] : memref<80x128xi32, #tpu.memory_space<vmem>> -> memref<1x128xi32, #tpu.memory_space<vmem>>
      %dma_start3A_130 = tpu.memref_squeeze %dma_start3A_129 : memref<1x128xi32, #tpu.memory_space<vmem>> -> memref<128xi32, #tpu.memory_space<vmem>>
      %dma_start3A_131 = arith.constant 0 : i32
      %dma_start3A_132 = arith.constant 0 : i32
      %dma_start3A_133 = tpu.memref_slice %arg21[%dma_start3A_131, %dma_start3A_132] : memref<10112x64xf32, #tpu.memory_space<vmem_shared>> -> memref<10112x64xf32, #tpu.memory_space<vmem_shared>>
      tpu.enqueue_indirect_dma source(%arg12 : memref<128x64xf32, #tpu.memory_space<vmem>>) target(%dma_start3A_133 : memref<10112x64xf32, #tpu.memory_space<vmem_shared>>) offsets(%dma_start3A_130 : memref<128xi32, #tpu.memory_space<vmem>>) semaphore(%arg20 : memref<!tpu.dma_semaphore, #tpu.memory_space<semaphore_mem>>) {add = true}
    }
    %scan3A_19 = arith.constant 20 : i32
    %dma_wait3A = arith.constant 76 : i32
    %dma_wait3A_20 = arith.constant 0 : i32
    %dma_wait3A_21 = tpu.memref_slice %arg8[%dma_wait3A, %dma_wait3A_20] : memref<80x128xi32, #tpu.memory_space<vmem>> -> memref<1x128xi32, #tpu.memory_space<vmem>>
    %dma_wait3A_22 = tpu.memref_squeeze %dma_wait3A_21 : memref<1x128xi32, #tpu.memory_space<vmem>> -> memref<128xi32, #tpu.memory_space<vmem>>
    %dma_wait3A_23 = arith.constant 0 : i32
    %dma_wait3A_24 = arith.constant 0 : i32
    %dma_wait3A_25 = tpu.memref_slice %arg21[%dma_wait3A_23, %dma_wait3A_24] : memref<10112x64xf32, #tpu.memory_space<vmem_shared>> -> memref<10112x64xf32, #tpu.memory_space<vmem_shared>>
    tpu.wait_indirect_dma semaphore(%arg17 : memref<!tpu.dma_semaphore, #tpu.memory_space<semaphore_mem>>) src(%arg9 : memref<128x64xf32, #tpu.memory_space<vmem>>) dst(%dma_wait3A_25 : memref<10112x64xf32, #tpu.memory_space<vmem_shared>>)
    %dma_wait3A_26 = arith.constant 77 : i32
    %dma_wait3A_27 = arith.constant 0 : i32
    %dma_wait3A_28 = tpu.memref_slice %arg8[%dma_wait3A_26, %dma_wait3A_27] : memref<80x128xi32, #tpu.memory_space<vmem>> -> memref<1x128xi32, #tpu.memory_space<vmem>>
    %dma_wait3A_29 = tpu.memref_squeeze %dma_wait3A_28 : memref<1x128xi32, #tpu.memory_space<vmem>> -> memref<128xi32, #tpu.memory_space<vmem>>
    %dma_wait3A_30 = arith.constant 0 : i32
    %dma_wait3A_31 = arith.constant 0 : i32
    %dma_wait3A_32 = tpu.memref_slice %arg21[%dma_wait3A_30, %dma_wait3A_31] : memref<10112x64xf32, #tpu.memory_space<vmem_shared>> -> memref<10112x64xf32, #tpu.memory_space<vmem_shared>>
    tpu.wait_indirect_dma semaphore(%arg18 : memref<!tpu.dma_semaphore, #tpu.memory_space<semaphore_mem>>) src(%arg10 : memref<128x64xf32, #tpu.memory_space<vmem>>) dst(%dma_wait3A_32 : memref<10112x64xf32, #tpu.memory_space<vmem_shared>>)
    %dma_wait3A_33 = arith.constant 78 : i32
    %dma_wait3A_34 = arith.constant 0 : i32
    %dma_wait3A_35 = tpu.memref_slice %arg8[%dma_wait3A_33, %dma_wait3A_34] : memref<80x128xi32, #tpu.memory_space<vmem>> -> memref<1x128xi32, #tpu.memory_space<vmem>>
    %dma_wait3A_36 = tpu.memref_squeeze %dma_wait3A_35 : memref<1x128xi32, #tpu.memory_space<vmem>> -> memref<128xi32, #tpu.memory_space<vmem>>
    %dma_wait3A_37 = arith.constant 0 : i32
    %dma_wait3A_38 = arith.constant 0 : i32
    %dma_wait3A_39 = tpu.memref_slice %arg21[%dma_wait3A_37, %dma_wait3A_38] : memref<10112x64xf32, #tpu.memory_space<vmem_shared>> -> memref<10112x64xf32, #tpu.memory_space<vmem_shared>>
    tpu.wait_indirect_dma semaphore(%arg19 : memref<!tpu.dma_semaphore, #tpu.memory_space<semaphore_mem>>) src(%arg11 : memref<128x64xf32, #tpu.memory_space<vmem>>) dst(%dma_wait3A_39 : memref<10112x64xf32, #tpu.memory_space<vmem_shared>>)
    %dma_wait3A_40 = arith.constant 79 : i32
    %dma_wait3A_41 = arith.constant 0 : i32
    %dma_wait3A_42 = tpu.memref_slice %arg8[%dma_wait3A_40, %dma_wait3A_41] : memref<80x128xi32, #tpu.memory_space<vmem>> -> memref<1x128xi32, #tpu.memory_space<vmem>>
    %dma_wait3A_43 = tpu.memref_squeeze %dma_wait3A_42 : memref<1x128xi32, #tpu.memory_space<vmem>> -> memref<128xi32, #tpu.memory_space<vmem>>
    %dma_wait3A_44 = arith.constant 0 : i32
    %dma_wait3A_45 = arith.constant 0 : i32
    %dma_wait3A_46 = tpu.memref_slice %arg21[%dma_wait3A_44, %dma_wait3A_45] : memref<10112x64xf32, #tpu.memory_space<vmem_shared>> -> memref<10112x64xf32, #tpu.memory_space<vmem_shared>>
    tpu.wait_indirect_dma semaphore(%arg20 : memref<!tpu.dma_semaphore, #tpu.memory_space<semaphore_mem>>) src(%arg12 : memref<128x64xf32, #tpu.memory_space<vmem>>) dst(%dma_wait3A_46 : memref<10112x64xf32, #tpu.memory_space<vmem_shared>>)
    %barrier3A_47 = arith.constant 0 : index
    tpu.barrier barrier_id(%barrier3A_47)
    "tpu.region"() ({
      %run_scoped3A = tpu.sem_alloc : memref<!tpu.dma_semaphore, #tpu.memory_space<semaphore_mem>>
      %dma_start3A_48 = arith.constant 0 : i32
      %dma_start3A_49 = tpu.memref_slice %arg6[%arg0, %mul3A_2, %dma_start3A_48] : memref<2x10112x64xf32, #tpu.memory_space<hbm>> -> memref<1x632x64xf32, #tpu.memory_space<hbm>>
      %dma_start3A_50 = tpu.memref_squeeze %dma_start3A_49 : memref<1x632x64xf32, #tpu.memory_space<hbm>> -> memref<632x64xf32, #tpu.memory_space<hbm>>
      %dma_start3A_51 = arith.constant 0 : i32
      %dma_start3A_52 = tpu.memref_slice %arg21[%mul3A_2, %dma_start3A_51] : memref<10112x64xf32, #tpu.memory_space<vmem_shared>> -> memref<632x64xf32, #tpu.memory_space<vmem_shared>>
      tpu.enqueue_dma source(%dma_start3A_52 : memref<632x64xf32, #tpu.memory_space<vmem_shared>>) target(%dma_start3A_50 : memref<632x64xf32, #tpu.memory_space<hbm>>) target_semaphore(%run_scoped3A : memref<!tpu.dma_semaphore, #tpu.memory_space<semaphore_mem>>)
      %dma_wait3A_53 = arith.constant 0 : i32
      %dma_wait3A_54 = tpu.memref_slice %arg6[%arg0, %mul3A_2, %dma_wait3A_53] : memref<2x10112x64xf32, #tpu.memory_space<hbm>> -> memref<1x632x64xf32, #tpu.memory_space<hbm>>
      %dma_wait3A_55 = tpu.memref_squeeze %dma_wait3A_54 : memref<1x632x64xf32, #tpu.memory_space<hbm>> -> memref<632x64xf32, #tpu.memory_space<hbm>>
      %dma_wait3A_56 = arith.constant 0 : i32
      %dma_wait3A_57 = tpu.memref_slice %arg21[%mul3A_2, %dma_wait3A_56] : memref<10112x64xf32, #tpu.memory_space<vmem_shared>> -> memref<632x64xf32, #tpu.memory_space<vmem_shared>>
      tpu.wait_dma2 semaphore(%run_scoped3A : memref<!tpu.dma_semaphore, #tpu.memory_space<semaphore_mem>>) src(%dma_wait3A_57 : memref<632x64xf32, #tpu.memory_space<vmem_shared>>) dst(%dma_wait3A_55 : memref<632x64xf32, #tpu.memory_space<hbm>>)
      tpu.yield
    }) : () -> ()
    return
  }
}

module attributes {stable_mosaic.version = 14 : i64} {
  func.func @_stage_first_body(%arg0: memref<10000x128xf32, #tpu.memory_space<vmem>>, %arg1: memref<128x64xf32, #tpu.memory_space<vmem>>, %arg2: memref<64x64xf32, #tpu.memory_space<vmem>>, %arg3: memref<64x64xf32, #tpu.memory_space<vmem>>, %arg4: memref<8x64xf32, #tpu.memory_space<vmem>>, %arg5: memref<10000x64xf32, #tpu.memory_space<vmem>>, %arg6: memref<10000x64xf32, #tpu.memory_space<vmem>>) attributes {dimension_semantics = [], scalar_prefetch = 0 : i64, scratch_operands = 0 : i64, tpu.core_type = #tpu.core_type<tc>} {
    %get3A = arith.constant 0 : index
    %get3A_0 = arith.constant 0 : index
    %get3A_1 = vector.load %arg0[%get3A, %get3A_0] : memref<10000x128xf32, #tpu.memory_space<vmem>>, vector<10000x128xf32>
    %get3A_2 = arith.constant 0 : index
    %get3A_3 = arith.constant 0 : index
    %get3A_4 = vector.load %arg1[%get3A_2, %get3A_3] : memref<128x64xf32, #tpu.memory_space<vmem>>, vector<128x64xf32>
    %dot_general3A = arith.constant dense<0.000000e+00> : vector<10000x64xf32>
    %dot_general3A_5 = tpu.matmul %get3A_1, %get3A_4, %dot_general3A {dimension_numbers = #tpu.dot_dimension_numbers<[1], [0], [0], [1], [0, 0, 1, 1], [], []>, transpose_lhs_hint = false} : vector<10000x128xf32>, vector<128x64xf32>, vector<10000x64xf32> -> vector<10000x64xf32>
    %get3A_6 = arith.constant 0 : index
    %get3A_7 = arith.constant 0 : index
    %get3A_8 = vector.load %arg4[%get3A_6, %get3A_7] : memref<8x64xf32, #tpu.memory_space<vmem>>, vector<1x64xf32>
    %add3A = vector.broadcast %get3A_8 : vector<1x64xf32> to vector<10000x64xf32>
    %add3A_9 = arith.addf %dot_general3A_5, %add3A : vector<10000x64xf32>
    %get3A_10 = arith.constant 1 : index
    %get3A_11 = arith.constant 0 : index
    %get3A_12 = vector.load %arg4[%get3A_10, %get3A_11] : memref<8x64xf32, #tpu.memory_space<vmem>>, vector<1x64xf32>
    %get3A_13 = arith.constant 2 : index
    %get3A_14 = arith.constant 0 : index
    %get3A_15 = vector.load %arg4[%get3A_13, %get3A_14] : memref<8x64xf32, #tpu.memory_space<vmem>>, vector<1x64xf32>
    %reduce_sum3A = arith.constant dense<0.000000e+00> : vector<64xf32>
    %reduce_sum3A_16 = vector.multi_reduction <add>, %add3A_9, %reduce_sum3A [0] : vector<10000x64xf32> to vector<64xf32>
    %broadcast_in_dim3A = vector.shape_cast %reduce_sum3A_16 : vector<64xf32> to vector<1x64xf32>
    %div3A = arith.constant 1.000000e+04 : f32
    %div3A_17 = vector.broadcast %div3A : f32 to vector<1x64xf32>
    %div3A_18 = arith.divf %broadcast_in_dim3A, %div3A_17 : vector<1x64xf32>
    %sub3A = vector.broadcast %div3A_18 : vector<1x64xf32> to vector<10000x64xf32>
    %sub3A_19 = arith.subf %add3A_9, %sub3A : vector<10000x64xf32>
    %mul3A = arith.mulf %sub3A_19, %sub3A_19 : vector<10000x64xf32>
    %reduce_sum3A_20 = arith.constant dense<0.000000e+00> : vector<64xf32>
    %reduce_sum3A_21 = vector.multi_reduction <add>, %mul3A, %reduce_sum3A_20 [0] : vector<10000x64xf32> to vector<64xf32>
    %broadcast_in_dim3A_22 = vector.shape_cast %reduce_sum3A_21 : vector<64xf32> to vector<1x64xf32>
    %div3A_23 = arith.constant 1.000000e+04 : f32
    %div3A_24 = vector.broadcast %div3A_23 : f32 to vector<1x64xf32>
    %div3A_25 = arith.divf %broadcast_in_dim3A_22, %div3A_24 : vector<1x64xf32>
    %add3A_26 = arith.constant 9.99999974E-6 : f32
    %add3A_27 = vector.broadcast %add3A_26 : f32 to vector<1x64xf32>
    %add3A_28 = arith.addf %div3A_25, %add3A_27 : vector<1x64xf32>
    %rsqrt3A = math.rsqrt %add3A_28 : vector<1x64xf32>
    %mul3A_29 = vector.broadcast %rsqrt3A : vector<1x64xf32> to vector<10000x64xf32>
    %mul3A_30 = arith.mulf %sub3A_19, %mul3A_29 : vector<10000x64xf32>
    %mul3A_31 = vector.broadcast %get3A_12 : vector<1x64xf32> to vector<10000x64xf32>
    %mul3A_32 = arith.mulf %mul3A_30, %mul3A_31 : vector<10000x64xf32>
    %add3A_33 = vector.broadcast %get3A_15 : vector<1x64xf32> to vector<10000x64xf32>
    %add3A_34 = arith.addf %mul3A_32, %add3A_33 : vector<10000x64xf32>
    %max3A = arith.constant 0.000000e+00 : f32
    %max3A_35 = vector.broadcast %max3A : f32 to vector<10000x64xf32>
    %max3A_36 = arith.maximumf %add3A_34, %max3A_35 : vector<10000x64xf32>
    %get3A_37 = arith.constant 0 : index
    %get3A_38 = arith.constant 0 : index
    %get3A_39 = vector.load %arg2[%get3A_37, %get3A_38] : memref<64x64xf32, #tpu.memory_space<vmem>>, vector<64x64xf32>
    %dot_general3A_40 = arith.constant dense<0.000000e+00> : vector<10000x64xf32>
    %dot_general3A_41 = tpu.matmul %max3A_36, %get3A_39, %dot_general3A_40 {dimension_numbers = #tpu.dot_dimension_numbers<[1], [0], [0], [1], [0, 0, 1, 1], [], []>, transpose_lhs_hint = false} : vector<10000x64xf32>, vector<64x64xf32>, vector<10000x64xf32> -> vector<10000x64xf32>
    %get3A_42 = arith.constant 3 : index
    %get3A_43 = arith.constant 0 : index
    %get3A_44 = vector.load %arg4[%get3A_42, %get3A_43] : memref<8x64xf32, #tpu.memory_space<vmem>>, vector<1x64xf32>
    %add3A_45 = vector.broadcast %get3A_44 : vector<1x64xf32> to vector<10000x64xf32>
    %add3A_46 = arith.addf %dot_general3A_41, %add3A_45 : vector<10000x64xf32>
    %get3A_47 = arith.constant 4 : index
    %get3A_48 = arith.constant 0 : index
    %get3A_49 = vector.load %arg4[%get3A_47, %get3A_48] : memref<8x64xf32, #tpu.memory_space<vmem>>, vector<1x64xf32>
    %get3A_50 = arith.constant 5 : index
    %get3A_51 = arith.constant 0 : index
    %get3A_52 = vector.load %arg4[%get3A_50, %get3A_51] : memref<8x64xf32, #tpu.memory_space<vmem>>, vector<1x64xf32>
    %reduce_sum3A_53 = arith.constant dense<0.000000e+00> : vector<64xf32>
    %reduce_sum3A_54 = vector.multi_reduction <add>, %add3A_46, %reduce_sum3A_53 [0] : vector<10000x64xf32> to vector<64xf32>
    %broadcast_in_dim3A_55 = vector.shape_cast %reduce_sum3A_54 : vector<64xf32> to vector<1x64xf32>
    %div3A_56 = arith.constant 1.000000e+04 : f32
    %div3A_57 = vector.broadcast %div3A_56 : f32 to vector<1x64xf32>
    %div3A_58 = arith.divf %broadcast_in_dim3A_55, %div3A_57 : vector<1x64xf32>
    %sub3A_59 = vector.broadcast %div3A_58 : vector<1x64xf32> to vector<10000x64xf32>
    %sub3A_60 = arith.subf %add3A_46, %sub3A_59 : vector<10000x64xf32>
    %mul3A_61 = arith.mulf %sub3A_60, %sub3A_60 : vector<10000x64xf32>
    %reduce_sum3A_62 = arith.constant dense<0.000000e+00> : vector<64xf32>
    %reduce_sum3A_63 = vector.multi_reduction <add>, %mul3A_61, %reduce_sum3A_62 [0] : vector<10000x64xf32> to vector<64xf32>
    %broadcast_in_dim3A_64 = vector.shape_cast %reduce_sum3A_63 : vector<64xf32> to vector<1x64xf32>
    %div3A_65 = arith.constant 1.000000e+04 : f32
    %div3A_66 = vector.broadcast %div3A_65 : f32 to vector<1x64xf32>
    %div3A_67 = arith.divf %broadcast_in_dim3A_64, %div3A_66 : vector<1x64xf32>
    %add3A_68 = arith.constant 9.99999974E-6 : f32
    %add3A_69 = vector.broadcast %add3A_68 : f32 to vector<1x64xf32>
    %add3A_70 = arith.addf %div3A_67, %add3A_69 : vector<1x64xf32>
    %rsqrt3A_71 = math.rsqrt %add3A_70 : vector<1x64xf32>
    %mul3A_72 = vector.broadcast %rsqrt3A_71 : vector<1x64xf32> to vector<10000x64xf32>
    %mul3A_73 = arith.mulf %sub3A_60, %mul3A_72 : vector<10000x64xf32>
    %mul3A_74 = vector.broadcast %get3A_49 : vector<1x64xf32> to vector<10000x64xf32>
    %mul3A_75 = arith.mulf %mul3A_73, %mul3A_74 : vector<10000x64xf32>
    %add3A_76 = vector.broadcast %get3A_52 : vector<1x64xf32> to vector<10000x64xf32>
    %add3A_77 = arith.addf %mul3A_75, %add3A_76 : vector<10000x64xf32>
    %max3A_78 = arith.constant 0.000000e+00 : f32
    %max3A_79 = vector.broadcast %max3A_78 : f32 to vector<10000x64xf32>
    %max3A_80 = arith.maximumf %add3A_77, %max3A_79 : vector<10000x64xf32>
    %swap3A = arith.constant 0 : index
    %swap3A_81 = arith.constant 0 : index
    %swap3A_82 = vector.load %arg5[%swap3A, %swap3A_81] : memref<10000x64xf32, #tpu.memory_space<vmem>>, vector<10000x64xf32>
    tpu.vector_store %arg5[%swap3A, %swap3A_81], %max3A_80 {strides = array<i32>} : memref<10000x64xf32, #tpu.memory_space<vmem>>, vector<10000x64xf32>,
    %get3A_83 = arith.constant 0 : index
    %get3A_84 = arith.constant 0 : index
    %get3A_85 = vector.load %arg3[%get3A_83, %get3A_84] : memref<64x64xf32, #tpu.memory_space<vmem>>, vector<64x64xf32>
    %dot_general3A_86 = arith.constant dense<0.000000e+00> : vector<10000x64xf32>
    %dot_general3A_87 = tpu.matmul %max3A_80, %get3A_85, %dot_general3A_86 {dimension_numbers = #tpu.dot_dimension_numbers<[1], [0], [0], [1], [0, 0, 1, 1], [], []>, transpose_lhs_hint = false} : vector<10000x64xf32>, vector<64x64xf32>, vector<10000x64xf32> -> vector<10000x64xf32>
    %get3A_88 = arith.constant 6 : index
    %get3A_89 = arith.constant 0 : index
    %get3A_90 = vector.load %arg4[%get3A_88, %get3A_89] : memref<8x64xf32, #tpu.memory_space<vmem>>, vector<1x64xf32>
    %add3A_91 = vector.broadcast %get3A_90 : vector<1x64xf32> to vector<10000x64xf32>
    %add3A_92 = arith.addf %dot_general3A_87, %add3A_91 : vector<10000x64xf32>
    %swap3A_93 = arith.constant 0 : index
    %swap3A_94 = arith.constant 0 : index
    %swap3A_95 = vector.load %arg6[%swap3A_93, %swap3A_94] : memref<10000x64xf32, #tpu.memory_space<vmem>>, vector<10000x64xf32>
    tpu.vector_store %arg6[%swap3A_93, %swap3A_94], %add3A_92 {strides = array<i32>} : memref<10000x64xf32, #tpu.memory_space<vmem>>, vector<10000x64xf32>,
    return
  }
}

module attributes {stable_mosaic.version = 14 : i64} {
  func.func @_stage_conv_body(%arg0: memref<10000x64xf32, #tpu.memory_space<vmem>>, %arg1: memref<2x10112x64xf32, #tpu.memory_space<vmem>>, %arg2: memref<64x64xf32, #tpu.memory_space<vmem>>, %arg3: memref<64x64xf32, #tpu.memory_space<vmem>>, %arg4: memref<64x64xf32, #tpu.memory_space<vmem>>, %arg5: memref<8x64xf32, #tpu.memory_space<vmem>>, %arg6: memref<10000x64xf32, #tpu.memory_space<vmem>>, %arg7: memref<10000x64xf32, #tpu.memory_space<vmem>>) attributes {dimension_semantics = [], scalar_prefetch = 0 : i64, scratch_operands = 0 : i64, tpu.core_type = #tpu.core_type<tc>} {
    %get3A = arith.constant 0 : index
    %get3A_0 = arith.constant 0 : index
    %get3A_1 = vector.load %arg0[%get3A, %get3A_0] : memref<10000x64xf32, #tpu.memory_space<vmem>>, vector<10000x64xf32>
    %get3A_2 = arith.constant 0 : index
    %get3A_3 = arith.constant 0 : index
    %get3A_4 = arith.constant 0 : index
    %get3A_5 = vector.load %arg1[%get3A_2, %get3A_3, %get3A_4] : memref<2x10112x64xf32, #tpu.memory_space<vmem>>, vector<1x10000x64xf32>
    %get3A_6 = vector.shape_cast %get3A_5 : vector<1x10000x64xf32> to vector<10000x64xf32>
    %add3A = arith.addf %get3A_1, %get3A_6 : vector<10000x64xf32>
    %get3A_7 = arith.constant 1 : index
    %get3A_8 = arith.constant 0 : index
    %get3A_9 = arith.constant 0 : index
    %get3A_10 = vector.load %arg1[%get3A_7, %get3A_8, %get3A_9] : memref<2x10112x64xf32, #tpu.memory_space<vmem>>, vector<1x10000x64xf32>
    %get3A_11 = vector.shape_cast %get3A_10 : vector<1x10000x64xf32> to vector<10000x64xf32>
    %add3A_12 = arith.addf %add3A, %get3A_11 : vector<10000x64xf32>
    %get3A_13 = arith.constant 0 : index
    %get3A_14 = arith.constant 0 : index
    %get3A_15 = vector.load %arg2[%get3A_13, %get3A_14] : memref<64x64xf32, #tpu.memory_space<vmem>>, vector<64x64xf32>
    %dot_general3A = arith.constant dense<0.000000e+00> : vector<10000x64xf32>
    %dot_general3A_16 = tpu.matmul %add3A_12, %get3A_15, %dot_general3A {dimension_numbers = #tpu.dot_dimension_numbers<[1], [0], [0], [1], [0, 0, 1, 1], [], []>, transpose_lhs_hint = false} : vector<10000x64xf32>, vector<64x64xf32>, vector<10000x64xf32> -> vector<10000x64xf32>
    %get3A_17 = arith.constant 0 : index
    %get3A_18 = arith.constant 0 : index
    %get3A_19 = vector.load %arg5[%get3A_17, %get3A_18] : memref<8x64xf32, #tpu.memory_space<vmem>>, vector<1x64xf32>
    %add3A_20 = vector.broadcast %get3A_19 : vector<1x64xf32> to vector<10000x64xf32>
    %add3A_21 = arith.addf %dot_general3A_16, %add3A_20 : vector<10000x64xf32>
    %get3A_22 = arith.constant 1 : index
    %get3A_23 = arith.constant 0 : index
    %get3A_24 = vector.load %arg5[%get3A_22, %get3A_23] : memref<8x64xf32, #tpu.memory_space<vmem>>, vector<1x64xf32>
    %get3A_25 = arith.constant 2 : index
    %get3A_26 = arith.constant 0 : index
    %get3A_27 = vector.load %arg5[%get3A_25, %get3A_26] : memref<8x64xf32, #tpu.memory_space<vmem>>, vector<1x64xf32>
    %reduce_sum3A = arith.constant dense<0.000000e+00> : vector<64xf32>
    %reduce_sum3A_28 = vector.multi_reduction <add>, %add3A_21, %reduce_sum3A [0] : vector<10000x64xf32> to vector<64xf32>
    %broadcast_in_dim3A = vector.shape_cast %reduce_sum3A_28 : vector<64xf32> to vector<1x64xf32>
    %div3A = arith.constant 1.000000e+04 : f32
    %div3A_29 = vector.broadcast %div3A : f32 to vector<1x64xf32>
    %div3A_30 = arith.divf %broadcast_in_dim3A, %div3A_29 : vector<1x64xf32>
    %sub3A = vector.broadcast %div3A_30 : vector<1x64xf32> to vector<10000x64xf32>
    %sub3A_31 = arith.subf %add3A_21, %sub3A : vector<10000x64xf32>
    %mul3A = arith.mulf %sub3A_31, %sub3A_31 : vector<10000x64xf32>
    %reduce_sum3A_32 = arith.constant dense<0.000000e+00> : vector<64xf32>
    %reduce_sum3A_33 = vector.multi_reduction <add>, %mul3A, %reduce_sum3A_32 [0] : vector<10000x64xf32> to vector<64xf32>
    %broadcast_in_dim3A_34 = vector.shape_cast %reduce_sum3A_33 : vector<64xf32> to vector<1x64xf32>
    %div3A_35 = arith.constant 1.000000e+04 : f32
    %div3A_36 = vector.broadcast %div3A_35 : f32 to vector<1x64xf32>
    %div3A_37 = arith.divf %broadcast_in_dim3A_34, %div3A_36 : vector<1x64xf32>
    %add3A_38 = arith.constant 9.99999974E-6 : f32
    %add3A_39 = vector.broadcast %add3A_38 : f32 to vector<1x64xf32>
    %add3A_40 = arith.addf %div3A_37, %add3A_39 : vector<1x64xf32>
    %rsqrt3A = math.rsqrt %add3A_40 : vector<1x64xf32>
    %mul3A_41 = vector.broadcast %rsqrt3A : vector<1x64xf32> to vector<10000x64xf32>
    %mul3A_42 = arith.mulf %sub3A_31, %mul3A_41 : vector<10000x64xf32>
    %mul3A_43 = vector.broadcast %get3A_24 : vector<1x64xf32> to vector<10000x64xf32>
    %mul3A_44 = arith.mulf %mul3A_42, %mul3A_43 : vector<10000x64xf32>
    %add3A_45 = vector.broadcast %get3A_27 : vector<1x64xf32> to vector<10000x64xf32>
    %add3A_46 = arith.addf %mul3A_44, %add3A_45 : vector<10000x64xf32>
    %max3A = arith.constant 0.000000e+00 : f32
    %max3A_47 = vector.broadcast %max3A : f32 to vector<10000x64xf32>
    %max3A_48 = arith.maximumf %add3A_46, %max3A_47 : vector<10000x64xf32>
    %get3A_49 = arith.constant 0 : index
    %get3A_50 = arith.constant 0 : index
    %get3A_51 = vector.load %arg3[%get3A_49, %get3A_50] : memref<64x64xf32, #tpu.memory_space<vmem>>, vector<64x64xf32>
    %dot_general3A_52 = arith.constant dense<0.000000e+00> : vector<10000x64xf32>
    %dot_general3A_53 = tpu.matmul %max3A_48, %get3A_51, %dot_general3A_52 {dimension_numbers = #tpu.dot_dimension_numbers<[1], [0], [0], [1], [0, 0, 1, 1], [], []>, transpose_lhs_hint = false} : vector<10000x64xf32>, vector<64x64xf32>, vector<10000x64xf32> -> vector<10000x64xf32>
    %get3A_54 = arith.constant 3 : index
    %get3A_55 = arith.constant 0 : index
    %get3A_56 = vector.load %arg5[%get3A_54, %get3A_55] : memref<8x64xf32, #tpu.memory_space<vmem>>, vector<1x64xf32>
    %add3A_57 = vector.broadcast %get3A_56 : vector<1x64xf32> to vector<10000x64xf32>
    %add3A_58 = arith.addf %dot_general3A_53, %add3A_57 : vector<10000x64xf32>
    %get3A_59 = arith.constant 4 : index
    %get3A_60 = arith.constant 0 : index
    %get3A_61 = vector.load %arg5[%get3A_59, %get3A_60] : memref<8x64xf32, #tpu.memory_space<vmem>>, vector<1x64xf32>
    %get3A_62 = arith.constant 5 : index
    %get3A_63 = arith.constant 0 : index
    %get3A_64 = vector.load %arg5[%get3A_62, %get3A_63] : memref<8x64xf32, #tpu.memory_space<vmem>>, vector<1x64xf32>
    %reduce_sum3A_65 = arith.constant dense<0.000000e+00> : vector<64xf32>
    %reduce_sum3A_66 = vector.multi_reduction <add>, %add3A_58, %reduce_sum3A_65 [0] : vector<10000x64xf32> to vector<64xf32>
    %broadcast_in_dim3A_67 = vector.shape_cast %reduce_sum3A_66 : vector<64xf32> to vector<1x64xf32>
    %div3A_68 = arith.constant 1.000000e+04 : f32
    %div3A_69 = vector.broadcast %div3A_68 : f32 to vector<1x64xf32>
    %div3A_70 = arith.divf %broadcast_in_dim3A_67, %div3A_69 : vector<1x64xf32>
    %sub3A_71 = vector.broadcast %div3A_70 : vector<1x64xf32> to vector<10000x64xf32>
    %sub3A_72 = arith.subf %add3A_58, %sub3A_71 : vector<10000x64xf32>
    %mul3A_73 = arith.mulf %sub3A_72, %sub3A_72 : vector<10000x64xf32>
    %reduce_sum3A_74 = arith.constant dense<0.000000e+00> : vector<64xf32>
    %reduce_sum3A_75 = vector.multi_reduction <add>, %mul3A_73, %reduce_sum3A_74 [0] : vector<10000x64xf32> to vector<64xf32>
    %broadcast_in_dim3A_76 = vector.shape_cast %reduce_sum3A_75 : vector<64xf32> to vector<1x64xf32>
    %div3A_77 = arith.constant 1.000000e+04 : f32
    %div3A_78 = vector.broadcast %div3A_77 : f32 to vector<1x64xf32>
    %div3A_79 = arith.divf %broadcast_in_dim3A_76, %div3A_78 : vector<1x64xf32>
    %add3A_80 = arith.constant 9.99999974E-6 : f32
    %add3A_81 = vector.broadcast %add3A_80 : f32 to vector<1x64xf32>
    %add3A_82 = arith.addf %div3A_79, %add3A_81 : vector<1x64xf32>
    %rsqrt3A_83 = math.rsqrt %add3A_82 : vector<1x64xf32>
    %mul3A_84 = vector.broadcast %rsqrt3A_83 : vector<1x64xf32> to vector<10000x64xf32>
    %mul3A_85 = arith.mulf %sub3A_72, %mul3A_84 : vector<10000x64xf32>
    %mul3A_86 = vector.broadcast %get3A_61 : vector<1x64xf32> to vector<10000x64xf32>
    %mul3A_87 = arith.mulf %mul3A_85, %mul3A_86 : vector<10000x64xf32>
    %add3A_88 = vector.broadcast %get3A_64 : vector<1x64xf32> to vector<10000x64xf32>
    %add3A_89 = arith.addf %mul3A_87, %add3A_88 : vector<10000x64xf32>
    %max3A_90 = arith.constant 0.000000e+00 : f32
    %max3A_91 = vector.broadcast %max3A_90 : f32 to vector<10000x64xf32>
    %max3A_92 = arith.maximumf %add3A_89, %max3A_91 : vector<10000x64xf32>
    %swap3A = arith.constant 0 : index
    %swap3A_93 = arith.constant 0 : index
    %swap3A_94 = vector.load %arg6[%swap3A, %swap3A_93] : memref<10000x64xf32, #tpu.memory_space<vmem>>, vector<10000x64xf32>
    tpu.vector_store %arg6[%swap3A, %swap3A_93], %max3A_92 {strides = array<i32>} : memref<10000x64xf32, #tpu.memory_space<vmem>>, vector<10000x64xf32>,
    %get3A_95 = arith.constant 0 : index
    %get3A_96 = arith.constant 0 : index
    %get3A_97 = vector.load %arg4[%get3A_95, %get3A_96] : memref<64x64xf32, #tpu.memory_space<vmem>>, vector<64x64xf32>
    %dot_general3A_98 = arith.constant dense<0.000000e+00> : vector<10000x64xf32>
    %dot_general3A_99 = tpu.matmul %max3A_92, %get3A_97, %dot_general3A_98 {dimension_numbers = #tpu.dot_dimension_numbers<[1], [0], [0], [1], [0, 0, 1, 1], [], []>, transpose_lhs_hint = false} : vector<10000x64xf32>, vector<64x64xf32>, vector<10000x64xf32> -> vector<10000x64xf32>
    %get3A_100 = arith.constant 6 : index
    %get3A_101 = arith.constant 0 : index
    %get3A_102 = vector.load %arg5[%get3A_100, %get3A_101] : memref<8x64xf32, #tpu.memory_space<vmem>>, vector<1x64xf32>
    %add3A_103 = vector.broadcast %get3A_102 : vector<1x64xf32> to vector<10000x64xf32>
    %add3A_104 = arith.addf %dot_general3A_99, %add3A_103 : vector<10000x64xf32>
    %swap3A_105 = arith.constant 0 : index
    %swap3A_106 = arith.constant 0 : index
    %swap3A_107 = vector.load %arg7[%swap3A_105, %swap3A_106] : memref<10000x64xf32, #tpu.memory_space<vmem>>, vector<10000x64xf32>
    tpu.vector_store %arg7[%swap3A_105, %swap3A_106], %add3A_104 {strides = array<i32>} : memref<10000x64xf32, #tpu.memory_space<vmem>>, vector<10000x64xf32>,
    return
  }
}

module attributes {stable_mosaic.version = 14 : i64} {
  func.func @_pool_body(%arg0: i32, %arg1: memref<10000x64xf32, #tpu.memory_space<vmem>>, %arg2: memref<10000x64xbf16, #tpu.memory_space<vmem>>, %arg3: memref<8x64xf32, #tpu.memory_space<vmem>>) attributes {dimension_semantics = [#tpu.dimension_semantics<arbitrary>], iteration_bounds = array<i64: 8>, scalar_prefetch = 0 : i64, scratch_operands = 0 : i64, tpu.core_type = #tpu.core_type<tc>, window_params = [{pipeline_mode = #tpu.pipeline_mode<synchronous>, transform_indices = @transform_0, window_bounds = array<i64: 10000, 64>}, {pipeline_mode = #tpu.pipeline_mode<synchronous>, transform_indices = @transform_1, window_bounds = array<i64: 10000, 64>}, {transform_indices = @transform_2, window_bounds = array<i64: 8, 64>}]} {
    %get3A = arith.constant 0 : index
    %get3A_0 = arith.constant 0 : index
    %get3A_1 = vector.load %arg1[%get3A, %get3A_0] : memref<10000x64xf32, #tpu.memory_space<vmem>>, vector<10000x64xf32>
    %convert_element_type3A = arith.truncf %get3A_1 : vector<10000x64xf32> to vector<10000x64xbf16>
    %get3A_2 = arith.constant 0 : index
    %get3A_3 = arith.constant 0 : index
    %get3A_4 = vector.load %arg2[%get3A_2, %get3A_3] : memref<10000x64xbf16, #tpu.memory_space<vmem>>, vector<10000x64xbf16>
    %mul3A = arith.constant 8 : i32
    %mul3A_5 = arith.muli %arg0, %mul3A : i32
    %add3A = arith.constant 0 : i32
    %add3A_6 = arith.addi %mul3A_5, %add3A : i32
    %convert_element_type3A_7 = arith.sitofp %add3A_6 : i32 to bf16
    %eq3A = vector.broadcast %convert_element_type3A_7 : bf16 to vector<10000x64xbf16>
    %eq3A_8 = arith.cmpf oeq, %get3A_4, %eq3A : vector<10000x64xbf16>
    %jit3A = arith.constant 0xFF80 : bf16
    %broadcast_in_dim3A = vector.broadcast %jit3A : bf16 to vector<10000x64xbf16>
    %select_n3A = arith.select %eq3A_8, %convert_element_type3A, %broadcast_in_dim3A : vector<10000x64xi1>, vector<10000x64xbf16>
    %reduce_max3A = arith.constant dense<0xFF80> : vector<64xbf16>
    %reduce_max3A_9 = vector.multi_reduction <maximumf>, %select_n3A, %reduce_max3A [0] : vector<10000x64xbf16> to vector<64xbf16>
    %broadcast_in_dim3A_10 = vector.shape_cast %reduce_max3A_9 : vector<64xbf16> to vector<1x64xbf16>
    %convert_element_type3A_11 = arith.extf %broadcast_in_dim3A_10 : vector<1x64xbf16> to vector<1x64xf32>
    %swap3A = arith.constant 0 : index
    %swap3A_12 = arith.constant 0 : index
    %swap3A_13 = vector.load %arg3[%swap3A, %swap3A_12] : memref<8x64xf32, #tpu.memory_space<vmem>>, vector<1x64xf32>
    tpu.vector_store %arg3[%swap3A, %swap3A_12], %convert_element_type3A_11 {strides = array<i32>} : memref<8x64xf32, #tpu.memory_space<vmem>>, vector<1x64xf32>,
    %mul3A_14 = arith.constant 8 : i32
    %mul3A_15 = arith.muli %arg0, %mul3A_14 : i32
    %add3A_16 = arith.constant 1 : i32
    %add3A_17 = arith.addi %mul3A_15, %add3A_16 : i32
    %convert_element_type3A_18 = arith.sitofp %add3A_17 : i32 to bf16
    %eq3A_19 = vector.broadcast %convert_element_type3A_18 : bf16 to vector<10000x64xbf16>
    %eq3A_20 = arith.cmpf oeq, %get3A_4, %eq3A_19 : vector<10000x64xbf16>
    %jit3A_21 = arith.constant 0xFF80 : bf16
    %broadcast_in_dim3A_22 = vector.broadcast %jit3A_21 : bf16 to vector<10000x64xbf16>
    %select_n3A_23 = arith.select %eq3A_20, %convert_element_type3A, %broadcast_in_dim3A_22 : vector<10000x64xi1>, vector<10000x64xbf16>
    %reduce_max3A_24 = arith.constant dense<0xFF80> : vector<64xbf16>
    %reduce_max3A_25 = vector.multi_reduction <maximumf>, %select_n3A_23, %reduce_max3A_24 [0] : vector<10000x64xbf16> to vector<64xbf16>
    %broadcast_in_dim3A_26 = vector.shape_cast %reduce_max3A_25 : vector<64xbf16> to vector<1x64xbf16>
    %convert_element_type3A_27 = arith.extf %broadcast_in_dim3A_26 : vector<1x64xbf16> to vector<1x64xf32>
    %swap3A_28 = arith.constant 1 : index
    %swap3A_29 = arith.constant 0 : index
    %swap3A_30 = vector.load %arg3[%swap3A_28, %swap3A_29] : memref<8x64xf32, #tpu.memory_space<vmem>>, vector<1x64xf32>
    tpu.vector_store %arg3[%swap3A_28, %swap3A_29], %convert_element_type3A_27 {strides = array<i32>} : memref<8x64xf32, #tpu.memory_space<vmem>>, vector<1x64xf32>,
    %mul3A_31 = arith.constant 8 : i32
    %mul3A_32 = arith.muli %arg0, %mul3A_31 : i32
    %add3A_33 = arith.constant 2 : i32
    %add3A_34 = arith.addi %mul3A_32, %add3A_33 : i32
    %convert_element_type3A_35 = arith.sitofp %add3A_34 : i32 to bf16
    %eq3A_36 = vector.broadcast %convert_element_type3A_35 : bf16 to vector<10000x64xbf16>
    %eq3A_37 = arith.cmpf oeq, %get3A_4, %eq3A_36 : vector<10000x64xbf16>
    %jit3A_38 = arith.constant 0xFF80 : bf16
    %broadcast_in_dim3A_39 = vector.broadcast %jit3A_38 : bf16 to vector<10000x64xbf16>
    %select_n3A_40 = arith.select %eq3A_37, %convert_element_type3A, %broadcast_in_dim3A_39 : vector<10000x64xi1>, vector<10000x64xbf16>
    %reduce_max3A_41 = arith.constant dense<0xFF80> : vector<64xbf16>
    %reduce_max3A_42 = vector.multi_reduction <maximumf>, %select_n3A_40, %reduce_max3A_41 [0] : vector<10000x64xbf16> to vector<64xbf16>
    %broadcast_in_dim3A_43 = vector.shape_cast %reduce_max3A_42 : vector<64xbf16> to vector<1x64xbf16>
    %convert_element_type3A_44 = arith.extf %broadcast_in_dim3A_43 : vector<1x64xbf16> to vector<1x64xf32>
    %swap3A_45 = arith.constant 2 : index
    %swap3A_46 = arith.constant 0 : index
    %swap3A_47 = vector.load %arg3[%swap3A_45, %swap3A_46] : memref<8x64xf32, #tpu.memory_space<vmem>>, vector<1x64xf32>
    tpu.vector_store %arg3[%swap3A_45, %swap3A_46], %convert_element_type3A_44 {strides = array<i32>} : memref<8x64xf32, #tpu.memory_space<vmem>>, vector<1x64xf32>,
    %mul3A_48 = arith.constant 8 : i32
    %mul3A_49 = arith.muli %arg0, %mul3A_48 : i32
    %add3A_50 = arith.constant 3 : i32
    %add3A_51 = arith.addi %mul3A_49, %add3A_50 : i32
    %convert_element_type3A_52 = arith.sitofp %add3A_51 : i32 to bf16
    %eq3A_53 = vector.broadcast %convert_element_type3A_52 : bf16 to vector<10000x64xbf16>
    %eq3A_54 = arith.cmpf oeq, %get3A_4, %eq3A_53 : vector<10000x64xbf16>
    %jit3A_55 = arith.constant 0xFF80 : bf16
    %broadcast_in_dim3A_56 = vector.broadcast %jit3A_55 : bf16 to vector<10000x64xbf16>
    %select_n3A_57 = arith.select %eq3A_54, %convert_element_type3A, %broadcast_in_dim3A_56 : vector<10000x64xi1>, vector<10000x64xbf16>
    %reduce_max3A_58 = arith.constant dense<0xFF80> : vector<64xbf16>
    %reduce_max3A_59 = vector.multi_reduction <maximumf>, %select_n3A_57, %reduce_max3A_58 [0] : vector<10000x64xbf16> to vector<64xbf16>
    %broadcast_in_dim3A_60 = vector.shape_cast %reduce_max3A_59 : vector<64xbf16> to vector<1x64xbf16>
    %convert_element_type3A_61 = arith.extf %broadcast_in_dim3A_60 : vector<1x64xbf16> to vector<1x64xf32>
    %swap3A_62 = arith.constant 3 : index
    %swap3A_63 = arith.constant 0 : index
    %swap3A_64 = vector.load %arg3[%swap3A_62, %swap3A_63] : memref<8x64xf32, #tpu.memory_space<vmem>>, vector<1x64xf32>
    tpu.vector_store %arg3[%swap3A_62, %swap3A_63], %convert_element_type3A_61 {strides = array<i32>} : memref<8x64xf32, #tpu.memory_space<vmem>>, vector<1x64xf32>,
    %mul3A_65 = arith.constant 8 : i32
    %mul3A_66 = arith.muli %arg0, %mul3A_65 : i32
    %add3A_67 = arith.constant 4 : i32
    %add3A_68 = arith.addi %mul3A_66, %add3A_67 : i32
    %convert_element_type3A_69 = arith.sitofp %add3A_68 : i32 to bf16
    %eq3A_70 = vector.broadcast %convert_element_type3A_69 : bf16 to vector<10000x64xbf16>
    %eq3A_71 = arith.cmpf oeq, %get3A_4, %eq3A_70 : vector<10000x64xbf16>
    %jit3A_72 = arith.constant 0xFF80 : bf16
    %broadcast_in_dim3A_73 = vector.broadcast %jit3A_72 : bf16 to vector<10000x64xbf16>
    %select_n3A_74 = arith.select %eq3A_71, %convert_element_type3A, %broadcast_in_dim3A_73 : vector<10000x64xi1>, vector<10000x64xbf16>
    %reduce_max3A_75 = arith.constant dense<0xFF80> : vector<64xbf16>
    %reduce_max3A_76 = vector.multi_reduction <maximumf>, %select_n3A_74, %reduce_max3A_75 [0] : vector<10000x64xbf16> to vector<64xbf16>
    %broadcast_in_dim3A_77 = vector.shape_cast %reduce_max3A_76 : vector<64xbf16> to vector<1x64xbf16>
    %convert_element_type3A_78 = arith.extf %broadcast_in_dim3A_77 : vector<1x64xbf16> to vector<1x64xf32>
    %swap3A_79 = arith.constant 4 : index
    %swap3A_80 = arith.constant 0 : index
    %swap3A_81 = vector.load %arg3[%swap3A_79, %swap3A_80] : memref<8x64xf32, #tpu.memory_space<vmem>>, vector<1x64xf32>
    tpu.vector_store %arg3[%swap3A_79, %swap3A_80], %convert_element_type3A_78 {strides = array<i32>} : memref<8x64xf32, #tpu.memory_space<vmem>>, vector<1x64xf32>,
    %mul3A_82 = arith.constant 8 : i32
    %mul3A_83 = arith.muli %arg0, %mul3A_82 : i32
    %add3A_84 = arith.constant 5 : i32
    %add3A_85 = arith.addi %mul3A_83, %add3A_84 : i32
    %convert_element_type3A_86 = arith.sitofp %add3A_85 : i32 to bf16
    %eq3A_87 = vector.broadcast %convert_element_type3A_86 : bf16 to vector<10000x64xbf16>
    %eq3A_88 = arith.cmpf oeq, %get3A_4, %eq3A_87 : vector<10000x64xbf16>
    %jit3A_89 = arith.constant 0xFF80 : bf16
    %broadcast_in_dim3A_90 = vector.broadcast %jit3A_89 : bf16 to vector<10000x64xbf16>
    %select_n3A_91 = arith.select %eq3A_88, %convert_element_type3A, %broadcast_in_dim3A_90 : vector<10000x64xi1>, vector<10000x64xbf16>
    %reduce_max3A_92 = arith.constant dense<0xFF80> : vector<64xbf16>
    %reduce_max3A_93 = vector.multi_reduction <maximumf>, %select_n3A_91, %reduce_max3A_92 [0] : vector<10000x64xbf16> to vector<64xbf16>
    %broadcast_in_dim3A_94 = vector.shape_cast %reduce_max3A_93 : vector<64xbf16> to vector<1x64xbf16>
    %convert_element_type3A_95 = arith.extf %broadcast_in_dim3A_94 : vector<1x64xbf16> to vector<1x64xf32>
    %swap3A_96 = arith.constant 5 : index
    %swap3A_97 = arith.constant 0 : index
    %swap3A_98 = vector.load %arg3[%swap3A_96, %swap3A_97] : memref<8x64xf32, #tpu.memory_space<vmem>>, vector<1x64xf32>
    tpu.vector_store %arg3[%swap3A_96, %swap3A_97], %convert_element_type3A_95 {strides = array<i32>} : memref<8x64xf32, #tpu.memory_space<vmem>>, vector<1x64xf32>,
    %mul3A_99 = arith.constant 8 : i32
    %mul3A_100 = arith.muli %arg0, %mul3A_99 : i32
    %add3A_101 = arith.constant 6 : i32
    %add3A_102 = arith.addi %mul3A_100, %add3A_101 : i32
    %convert_element_type3A_103 = arith.sitofp %add3A_102 : i32 to bf16
    %eq3A_104 = vector.broadcast %convert_element_type3A_103 : bf16 to vector<10000x64xbf16>
    %eq3A_105 = arith.cmpf oeq, %get3A_4, %eq3A_104 : vector<10000x64xbf16>
    %jit3A_106 = arith.constant 0xFF80 : bf16
    %broadcast_in_dim3A_107 = vector.broadcast %jit3A_106 : bf16 to vector<10000x64xbf16>
    %select_n3A_108 = arith.select %eq3A_105, %convert_element_type3A, %broadcast_in_dim3A_107 : vector<10000x64xi1>, vector<10000x64xbf16>
    %reduce_max3A_109 = arith.constant dense<0xFF80> : vector<64xbf16>
    %reduce_max3A_110 = vector.multi_reduction <maximumf>, %select_n3A_108, %reduce_max3A_109 [0] : vector<10000x64xbf16> to vector<64xbf16>
    %broadcast_in_dim3A_111 = vector.shape_cast %reduce_max3A_110 : vector<64xbf16> to vector<1x64xbf16>
    %convert_element_type3A_112 = arith.extf %broadcast_in_dim3A_111 : vector<1x64xbf16> to vector<1x64xf32>
    %swap3A_113 = arith.constant 6 : index
    %swap3A_114 = arith.constant 0 : index
    %swap3A_115 = vector.load %arg3[%swap3A_113, %swap3A_114] : memref<8x64xf32, #tpu.memory_space<vmem>>, vector<1x64xf32>
    tpu.vector_store %arg3[%swap3A_113, %swap3A_114], %convert_element_type3A_112 {strides = array<i32>} : memref<8x64xf32, #tpu.memory_space<vmem>>, vector<1x64xf32>,
    %mul3A_116 = arith.constant 8 : i32
    %mul3A_117 = arith.muli %arg0, %mul3A_116 : i32
    %add3A_118 = arith.constant 7 : i32
    %add3A_119 = arith.addi %mul3A_117, %add3A_118 : i32
    %convert_element_type3A_120 = arith.sitofp %add3A_119 : i32 to bf16
    %eq3A_121 = vector.broadcast %convert_element_type3A_120 : bf16 to vector<10000x64xbf16>
    %eq3A_122 = arith.cmpf oeq, %get3A_4, %eq3A_121 : vector<10000x64xbf16>
    %jit3A_123 = arith.constant 0xFF80 : bf16
    %broadcast_in_dim3A_124 = vector.broadcast %jit3A_123 : bf16 to vector<10000x64xbf16>
    %select_n3A_125 = arith.select %eq3A_122, %convert_element_type3A, %broadcast_in_dim3A_124 : vector<10000x64xi1>, vector<10000x64xbf16>
    %reduce_max3A_126 = arith.constant dense<0xFF80> : vector<64xbf16>
    %reduce_max3A_127 = vector.multi_reduction <maximumf>, %select_n3A_125, %reduce_max3A_126 [0] : vector<10000x64xbf16> to vector<64xbf16>
    %broadcast_in_dim3A_128 = vector.shape_cast %reduce_max3A_127 : vector<64xbf16> to vector<1x64xbf16>
    %convert_element_type3A_129 = arith.extf %broadcast_in_dim3A_128 : vector<1x64xbf16> to vector<1x64xf32>
    %swap3A_130 = arith.constant 7 : index
    %swap3A_131 = arith.constant 0 : index
    %swap3A_132 = vector.load %arg3[%swap3A_130, %swap3A_131] : memref<8x64xf32, #tpu.memory_space<vmem>>, vector<1x64xf32>
    tpu.vector_store %arg3[%swap3A_130, %swap3A_131], %convert_element_type3A_129 {strides = array<i32>} : memref<8x64xf32, #tpu.memory_space<vmem>>, vector<1x64xf32>,
    return
  }
  func.func @transform_0(%arg0: i32) -> (i32, i32) {
    %c0_i32 = arith.constant 0 : i32
    %c0_i32_0 = arith.constant 0 : i32
    %c0_i32_1 = arith.constant 0 : i32
    return %c0_i32, %c0_i32_0 : i32, i32
  }
  func.func @transform_1(%arg0: i32) -> (i32, i32) {
    %c0_i32 = arith.constant 0 : i32
    %c0_i32_0 = arith.constant 0 : i32
    %c0_i32_1 = arith.constant 0 : i32
    return %c0_i32, %c0_i32_0 : i32, i32
  }
  func.func @transform_2(%arg0: i32) -> (i32, i32) {
    %c0_i32 = arith.constant 0 : i32
    %c0_i32_0 = arith.constant 0 : i32
    return %arg0, %c0_i32 : i32, i32
  }
}

</mosaic_0001>

<sc_bundles>
// kernel: sc_segsum.4.cloned.1.call-start
scs
__scs_entry_jumppad:
0x0: {  	(pc) =	sbr.rel $0x88, $3  }
0x1: {  	(tag) =	ssettag $0x0;
	lr =	simm.s32 $0x1  }
0x2: {  	[smem:$0x3F80] =	sst lr;
	_ =	strace $0xD0000000  }
0x3: {  	_ = 	snop  }
0x4: {  	_ = 	snop  }
0x5: {  	_ = 	snop  }
0x6: {  	_ = 	snop  }
0x7: {  	_ = 	snop  }
__scs_overlays_trampoline_lowered:
0x8: {  	[smem:$0x3F8F] =	sst s0  }
0x9: {  	[smem:$0x3F90] =	sst s1  }
0xa: {  	[smem:$0x3F91] =	sst s2  }
0xb: {  	[smem:$0x3F92] =	sst s3  }
0xc: {  	[smem:$0x3F93] =	sst s4  }
0xd: {  	[smem:$0x3F94] =	sst s5  }
0xe: {  	[smem:$0x3F95] =	sst s6  }
0xf: {  	[smem:$0x3F96] =	sst s7  }
0x10: {  	[smem:$0x3F97] =	sst s8  }
0x11: {  	[smem:$0x3F98] =	sst s9;
	s0 =	simm.s32 @!p0 $0x0  }
0x12: {  	s1 =	sld [smem:$0x3F7E];
	s0 =	simm.s32 @p0 $0x1  }
0x13: {  	[smem:$0x3F99] =	sst s0;
	s0 =	simm.s32 @!p1 $0x0  }
0x14: {  	s2 =	sld [smem:$0x3F7D];
	s0 =	simm.s32 @p1 $0x1  }
0x15: {  	[smem:$0x3F9A] =	sst s0;
	s0 =	simm.s32 @!p2 $0x0  }
0x16: {  	s3 =	sld [smem:$0x3FDB];
	s0 =	simm.s32 @p2 $0x1  }
0x17: {  	s4 =	simm.s32 $0x1BF5;
	[smem:$0x3F9C] =	sst s0  }
0x18: {  	s0 =	sld [smem:$0x3F7F];
	_ =	swait.ge [sflag:s4], $0x0  }
0x19: {  	s7 =	sld [smem:$0x3F80]  }
0x1a: {  	s8 =	sadd.s32 $0xFFFFE003, lr  }
0x1b: {  	s9 =	sadd.s32 $0xFFFFFEF7, lr;
	s5 =	simm.s32 $0xFFFFFFFF;
	p2 =	slt.u32 s8, $0xFFFFF086  }
0x1c: {  	p1 =	slt.u32 s9, $0xF7A;
	s5 =	simm.s32 @!p2 $0x0  }
0x1d: {  	s5 =	simm.s32 @p1 $0x1;
	p0 =	seq.s32 s7, s2  }
0x1e: {  	s7 =	smul.u32 @!p0 $0xF7A, s2;
	p2 =	seq.s32 @!p0 s5, $0x0  }
0x1f: {  	s9 =	smul.u32 $0xF7A, s1;
	s8 =	simm.s32 @!p0 $0x1BF5;
	p2 =	por !p2, p0  }
0x20: {  	[sflag:s8] =	ssyncset.s32 @!p0 $0xFFFFF086;
	s6 =	sadd.s32 @!p0 s3, s7;
	s7 =	simm.s32 @!p0 $0x108  }
0x21: {  	s3 =	sadd.s32 s3, s9;
	s6 =	sadd.s32 @!p0 $0x88, s6;
	s7 =	simm.s32 @p2 $0x1082  }
0x22: {  	[simem:s7], [sflag:s8] =	dma.local @!p0 [hbm:s6], $0xF7A  }
0x23: {  	s9 =	sor.u32 $0xD0000000, s2;
	s6 =	simm.s32 $0x108;
	_ =	swait.ge @!p0 [sflag:s8], $0x0  }
0x24: {  	s3 =	sadd.s32 $0x88, s3;
	s6 =	simm.s32 @!p1 $0x1082;
	[sflag:s4] =	ssyncset.s32 $0xFFFFF086  }
0x25: {  	[simem:s6], [sflag:s4] =	dma.local [hbm:s3], $0xF7A  }
0x26: {  	[smem:$0x3F80] =	sst s1;
	(tag) =	ssettag s2;
	_ =	strace s9  }
0x27: {  	s1 =	sld [smem:$0x3F90]  }
0x28: {  	s2 =	sld [smem:$0x3F91]  }
0x29: {  	s4 =	sld [smem:$0x3F93]  }
0x2a: {  	p0 =	seq.s32 s5, $0x0;
	s5 =	sld [smem:$0x3F94]  }
0x2b: {  	s6 =	sld [smem:$0x3F95]  }
0x2c: {  	s7 =	sld [smem:$0x3F96]  }
0x2d: {  	s3 =	simm.s32 $0x108;
	s8 =	sld [smem:$0x3F97]  }
0x2e: {  	s3 =	simm.s32 @!p0 $0x1082;
	s9 =	sld [smem:$0x3F98]  }
0x2f: {  	lr =	sadd.s32 s0, s3;
	s0 =	sld [smem:$0x3F8F]  }
0x30: {  	s3 =	sld [smem:$0x3F92]  }
0x31: {  	[smem:$0x3F9B] =	sst s10  }
0x32: {  	s10 =	sld [smem:$0x3F99];
	_ =	sdelay $0x3  }
0x33: {  	p0 =	seq.s32 s10, $0x1;
	s10 =	sld [smem:$0x3F9B];
	_ =	sdelay $0x3  }
0x34: {  	[smem:$0x3F9B] =	sst s10  }
0x35: {  	s10 =	sld [smem:$0x3F9A];
	_ =	sdelay $0x3  }
0x36: {  	p1 =	seq.s32 s10, $0x1;
	s10 =	sld [smem:$0x3F9B];
	_ =	sdelay $0x3  }
0x37: {  	[smem:$0x3F9B] =	sst s10  }
0x38: {  	s10 =	sld [smem:$0x3F9C]  }
0x39: {  	_ = 	snop;
	(pc) =	sbr.ind lr, $3  }
0x3a: {  	_ = 	snop  }
0x3b: {  	_ = 	snop  }
0x3c: {  	p2 =	seq.s32 s10, $0x1;
	s10 =	sld [smem:$0x3F9B]  }
0x3d: {  	_ =	shalt  }
0x3e: {  	_ =	shalt  }
0x3f: {  	_ =	shalt  }
0x40: {  	_ =	shalt  }
0x41: {  	_ =	shalt  }
0x42: {  	_ =	shalt  }
0x43: {  	_ =	shalt  }
0x44: {  	_ =	shalt  }
0x45: {  	_ =	shalt  }
0x46: {  	_ =	shalt  }
0x47: {  	_ =	shalt  }
0x48: {  	_ =	shalt  }
0x49: {  	_ =	shalt  }
0x4a: {  	_ =	shalt  }
0x4b: {  	_ =	shalt  }
0x4c: {  	_ =	shalt  }
0x4d: {  	_ =	shalt  }
0x4e: {  	_ =	shalt  }
0x4f: {  	_ =	shalt  }
0x50: {  	_ =	shalt  }
0x51: {  	_ =	shalt  }
0x52: {  	_ =	shalt  }
0x53: {  	_ =	shalt  }
0x54: {  	_ =	shalt  }
0x55: {  	_ =	shalt  }
0x56: {  	_ =	shalt  }
0x57: {  	_ =	shalt  }
0x58: {  	_ =	shalt  }
0x59: {  	_ =	shalt  }
0x5a: {  	_ =	shalt  }
0x5b: {  	_ =	shalt  }
0x5c: {  	_ =	shalt  }
0x5d: {  	_ =	shalt  }
0x5e: {  	_ =	shalt  }
0x5f: {  	_ =	shalt  }
0x60: {  	_ =	shalt  }
0x61: {  	_ =	shalt  }
0x62: {  	_ =	shalt  }
0x63: {  	_ =	shalt  }
0x64: {  	_ =	shalt  }
0x65: {  	_ =	shalt  }
0x66: {  	_ =	shalt  }
0x67: {  	_ =	shalt  }
0x68: {  	_ =	shalt  }
0x69: {  	_ =	shalt  }
0x6a: {  	_ =	shalt  }
0x6b: {  	_ =	shalt  }
0x6c: {  	_ =	shalt  }
0x6d: {  	_ =	shalt  }
0x6e: {  	_ =	shalt  }
0x6f: {  	_ =	shalt  }
0x70: {  	_ =	shalt  }
0x71: {  	_ =	shalt  }
0x72: {  	_ =	shalt  }
0x73: {  	_ =	shalt  }
0x74: {  	_ =	shalt  }
0x75: {  	_ =	shalt  }
0x76: {  	_ =	shalt  }
0x77: {  	_ =	shalt  }
0x78: {  	_ =	shalt  }
0x79: {  	_ =	shalt  }
0x7a: {  	_ =	shalt  }
0x7b: {  	_ =	shalt  }
0x7c: {  	_ =	shalt  }
0x7d: {  	_ =	shalt  }
0x7e: {  	_ =	shalt  }
0x7f: {  	_ =	shalt  }
0x80: {  	_ =	shalt  }
0x81: {  	_ =	shalt  }
0x82: {  	_ =	shalt  }
0x83: {  	_ =	shalt  }
0x84: {  	_ =	shalt  }
0x85: {  	_ =	shalt  }
0x86: {  	_ =	shalt  }
0x87: {  	_ =	shalt  }
.Lfunc_end0:
.L_simem_size_0:
called_computation_lowered:
.L_overlay_start_0:
0x88: {  	s2 =	sld [smem:$0x3FD9]  }
0x89: {  	s3 =	sld [smem:$0x3FFE];
	_ =	sdelay $0x1  }
0x8a: {  	s1 =	srdreg.scid  }
0x8b: {  	s0 =	sand.u32 $0x1, s1  }
0x8c: {  	s14 =	sshll.u32 s0, $0xA;
	s2 =	sadd.s32 s3, s2  }
0x8d: {  	s2 =	sadd.s32 s2, s14  }
0x8e: {  	[smem:$0x3FA7] =	sst s2  }
0x8f: {  	_ = 	snop  }
0x90: {  	s2 =	sld [smem:$0x3FD0];
	_ =	sdelay $0x2  }
0x91: {  	s15 =	simm.s32 $0xA;
	s4 =	simm.s32 $0x10  }
0x92: {  	[smem:s4], [sflag:s15] =	dma.local [hbm:s2], $0x1  }
0x93: {  	_ =	swait.eq [sflag:s15], $0x1  }
0x94: {  	[sflag:s15] =	ssyncset.done $0x0  }
0x95: {  	[sflag:s15] =	ssyncadd.s32 $0xFFFFFFFF  }
0x96: {  	s16 =	sld [smem:$0x11];
	(tm) =	ssettm $0x1  }
0x97: {  	s17 =	sld [smem:$0x3FFB];
	_ =	sdelay $0x3  }
0x98: {  	_ =	strace s17  }
0x99: {  	s3 =	sld [smem:$0x3FFC];
	_ =	sdelay $0x3  }
0x9a: {  	_ =	strace s3  }
0x9b: {  	s3 =	sld [smem:$0x3FFD];
	_ =	sdelay $0x3  }
0x9c: {  	_ =	strace s3  }
0x9d: {  	_ =	strace $0x8FFFFFFF  }
0x9e: {  	s18 =	sld [smem:$0x3FDB];
	_ =	sdelay $0x1  }
0x9f: {  	s19 =	simm.s32 $_scs_section_size  }
0xa0: {  	s5 =	simm.s32 $_size__tile_overlayer_lowered;
	s6 =	simm.s32 $_tile_overlayer_lowered  }
0xa1: {  	s22 =	simm.s32 $0x1BFF;
	s21 =	sshll.u32 s6, $0x1;
	s3 =	sadd.s32 s19, s18  }
0xa2: {  	s7 =	simm.s32 $0x0;
	s20 =	sshll.u32 s5, $0x1;
	s5 =	sadd.s32 s21, s3  }
0xa3: {  	[timem:s7], [sflag:s22] =	dma.local [hbm:s5], s20  }
0xa4: {  	_ =	swait.ge [sflag:s22], s20  }
0xa5: {  	s4 =	ssub.s32 $0x0, s20;
	[sflag:s22] =	ssyncset.done $0x0  }
0xa6: {  	[sflag:s22] =	ssyncadd.s32 s4;
	_ =	sdelay $0x1  }
0xa7: {  	s23 =	simm.s32 $0x1B8B  }
0xa8: {  	_ =	swait.ge [sflag:s23], $0x1  }
0xa9: {  	[sflag:s23] =	ssyncset.done $0x0  }
0xaa: {  	s25 =	simm.s32 $0x1B8E;
	s24 =	sld [smem:$0x3FFE];
	[sflag:s23] =	ssyncadd.s32 $0xFFFFFFFF  }
0xab: {  	s26 =	simm.s32 $execute0_lowered;
	[smem:$0x3FD2] =	sst s25  }
0xac: {  	s5 =	sshll.u32 s26, $0x1;
	_ =	strace $0x80000046;
	[dreg:$0x1] =	wrdreg $0xFFFFFFFF  }
0xad: {  	s28 =	simm.s32 $_size_execute0_lowered;
	s3 =	sadd.s32 s3, s5;
	[dreg:$0x0] =	wrdreg $0x0  }
0xae: {  	s5 =	sshll.u32 s28, $0x1;
	[dreg:$0x2] =	wrdreg s3  }
0xaf: {  	[dreg:$0x3] =	wrdreg s5  }
0xb0: {  	[dreg:$0x4] =	wrdreg $0xC0  }
0xb1: {  	_ =	task [dreg:s7], $0x5FFFF  }
0xb2: {  	[dreg:$0x1] =	wrdreg $0xFFFFFFFF  }
0xb3: {  	[dreg:$0x0] =	wrdreg $0x60  }
0xb4: {  	[dreg:$0x2] =	wrdreg s24  }
0xb5: {  	[dreg:$0x3] =	wrdreg s16  }
0xb6: {  	[dreg:$0x4] =	wrdreg $0xD0000  }
0xb7: {  	[dreg:$0x5] =	wrdreg $0x9  }
0xb8: {  	_ =	task.clear_ibuf [dreg:s7], $0x6FFFF;
	_ =	strace $0x90000046  }
0xb9: {  	s29 =	simm.s32 $0x9;
	_ =	strace $0x80000048  }
0xba: {  	_ =	swait.ge [sflag:s29], $0x1  }
0xbb: {  	[sflag:s29] =	ssyncadd.s32 $0xFFFFFFFF  }
0xbc: {  	_ =	strace $0x90000048  }
0xbd: {  	_ =	sfence  }
0xbe: {  	s30 =	sld [smem:$0x0];
	_ =	sdelay $0x2  }
0xbf: {  	s31 =	sshll.u32 s1, $0xD;
	s1 =	sshrl.u32 s1, $0x2  }
0xc0: {  	s3 =	sand.u32 $0x4000, s31;
	s1 =	sadd.s32 s1, s30  }
0xc1: {  	s0 =	sor.u32 s3, s0;
	s1 =	sshll.u32 s1, $0x11  }
0xc2: {  	s0 =	sor.u32 s1, s0  }
0xc3: {  	s0 =	sadd.s32 $0x8F2B, s0  }
0xc4: {  	[sflag:s0] =	ssyncadd.remote.s32 $0x1  }
0xc5: {  	_ =	sfence.sel $0xFFFF  }
0xc6: {  	[dreg:$0x0] =	wrdreg $0xFFFFFFFF;
	(pc) =	sbr.abs _section_cstart, $3  }
0xc7: {  	[dreg:$0x1] =	wrdreg $0xFFFFFFFF  }
0xc8: {  	_ =	task.clear_ibuf [dreg:s7], $0x2FFFF;
	_ =	strace $0x9FFFFFFF  }
0xc9: {  	(tm) =	ssettm $0x7FFFFFFF  }
tec
execute0_lowered:
.L_overlay_start_1:
0x0: {  	(tag) =	ssettag $0x1  }
0x1: {  	s0 =	rddreg [dreg:$0x0]  }
0x2: {  	s1 =	rddreg [dreg:$0x1]  }
0x3: {  	s2 =	rddreg [dreg:$0x2]  }
0x4: {  	s4 =	srdreg.scid;
	s11 =	stileid.u32  }
0x5: {  	s3 =	simm.s32 $0x0;
	s14 =	simm.s32 $0x80;
	s15 =	simm.s32 $0x5000  }
0x6: {  	s16 =	simm.s32 $0x7000;
	s18 =	simm.s32 $0x9000;
	s19 =	simm.s32 $0x1  }
0x7: {  	s21 =	simm.s32 $0xB000;
	s22 =	simm.s32 $0x2;
	s24 =	simm.s32 $0x5  }
0x8: {  	s29 =	simm.s32 $0x6;
	s31 =	simm.s32 $0x4;
	s17 =	simm.s32 $0x8  }
0x9: {  	s30 =	simm.s32 $0x4F00;
	s20 =	simm.s32 $0x0;
	s4 =	sand.u32 $0x1, s4  }
0xa: {  	s7 =	smul.u32 $0x9E00, s11;
	[smem:$0x7FF] =	sst s3;
	s5 =	sshll.u32 s11, $0x1  }
0xb: {  	s28 =	sshll.u32 s11, $0x6;
	s11 =	simm.s32 $0x2800;
	s6 =	smul.u32 $0x9E000, s4  }
0xc: {  	_ =	strace $0x80000047;
	s5 =	sor.u32 s4, s5;
	s8 =	ssub.s32 $0x2, s4  }
0xd: {  	s4 =	sadd.s32 $0x4200, s0;
	s12 =	sor.u32 $0x1C09, s28;
	s5 =	smul.u32 $0x500, s5  }
0xe: {  	s9 =	sshrl.u32 s8, $0x1;
	s26 =	sshrl.u32 s7, $0x3;
	s13 =	sadd.s32 s7, s2  }
0xf: {  	s6 =	sadd.s32 s7, s6;
	s9 =	ssub.s32 s8, s9;
	s7 =	sadd.s32 s1, s26  }
0x10: {  	s13 =	sshrl.u32 s13, $0x3;
	s26 =	simm.s32 $0x3;
	s1 =	simm.s32 $0x7  }
0x11: {  	s6 =	sshrl.u32 s6, $0x3;
	s10 =	sadd.s32 s5, s0;
	s9 =	smax.u32 s9, $0x1  }
0x12: {  	s0 =	sadd.s32 s6, s0;
	s5 =	sadd.s32 $0x17C00, s10;
	s6 =	sadd.s32 $0x21C00, s10  }
0x13: {  	s10 =	simm.s32 $0x9;
	s8 =	sadd.s32 $0x2BC00, s0;
	s0 =	simm.s32 $0x4F80  }
.LBB2_1:
0x14: {  	[tilespmem:s3], [sflag:$0x9] =	stream.linear.gather [hbm4b:s5+s3], $0x2800, $0x38;
	[tilespmem:$0x16E00] =	vst v63  }
0x15: {  	_ =	swait.ge [sflag:s10], $0x2800  }
0x16: {  	[sflag:s10] =	ssyncset.done $0x0  }
0x17: {  	[sflag:s10] =	ssyncadd.s32 $0xFFFFD800  }
0x18: {  	[tilespmem:s11], [sflag:$0x9] =	stream.linear.gather [hbm4b:s6+s3], $0x2800, $0x38;
	[tilespmem:$0x16E00] =	vst v63  }
0x19: {  	_ =	swait.ge [sflag:s10], $0x2800  }
0x1a: {  	[sflag:s10] =	ssyncset.done $0x0  }
0x1b: {  	[sflag:s10] =	ssyncadd.s32 $0xFFFFD800  }
0x1c: {  	[spmem:s13], [sflag:s12] =	dma.local [hbm:s7], $0x13C0  }
0x1d: {  	_ =	swait.ge [sflag:s10], $0x13C0  }
0x1e: {  	[sflag:s10] =	ssyncset.done $0x0  }
0x1f: {  	[sflag:s10] =	ssyncadd.s32 $0xFFFFEC40  }
0x20: {  	[bflag:$0x0] =	sbarrier.arrive $0xFFFF  }
0x21: {  	[tilespmem:s15], [sflag:$0x1] =	stream.indirect.gather [hbm4b:s4+s14], $0x40, s3, s14, $0xb8;
	[tilespmem:$0x16E00] =	vst v63  }
0x22: {  	_ = 	snop  }
0x23: {  	[tilespmem:s16], [sflag:$0x2] =	stream.indirect.gather [hbm4b:s4+s14], $0x40, s14, s14, $0xb8;
	[tilespmem:$0x16E00] =	vst v63  }
0x24: {  	s23 =	simm.s32 $0x100  }
0x25: {  	[tilespmem:s18], [sflag:$0x3] =	stream.indirect.gather [hbm4b:s4+s14], $0x40, s23, s14, $0xb8;
	[tilespmem:$0x16E00] =	vst v63  }
0x26: {  	_ =	swait.ge [sflag:s19], $0x2000  }
0x27: {  	[sflag:s19] =	ssyncset.done $0x0  }
0x28: {  	[sflag:s19] =	ssyncadd.s32 $0xFFFFE000  }
0x29: {  	[spmem:s2] =	stream.indirect.scatter.add.f32 [tilespmem:s15], [sflag:$0x5], $0x40, s11, s14, $0xb8;
	[tilespmem:$0x16E00] =	vst v63  }
0x2a: {  	s28 =	simm.s32 $0x180  }
0x2b: {  	[tilespmem:s21], [sflag:$0x4] =	stream.indirect.gather [hbm4b:s4+s14], $0x40, s28, s14, $0xb8;
	[tilespmem:$0x16E00] =	vst v63  }
0x2c: {  	_ =	swait.ge [sflag:s22], $0x2000  }
0x2d: {  	[sflag:s22] =	ssyncset.done $0x0  }
0x2e: {  	s25 =	simm.s32 $0x2880;
	[sflag:s22] =	ssyncadd.s32 $0xFFFFE000  }
0x2f: {  	[spmem:s2] =	stream.indirect.scatter.add.f32 [tilespmem:s16], [sflag:$0x6], $0x40, s25, s14, $0xb8;
	[tilespmem:$0x16E00] =	vst v63  }
0x30: {  	_ =	swait.ge [sflag:s24], $0x2000  }
0x31: {  	[sflag:s24] =	ssyncset.done $0x0  }
0x32: {  	s28 =	simm.s32 $0x200;
	[sflag:s24] =	ssyncadd.s32 $0xFFFFE000  }
0x33: {  	[tilespmem:s15], [sflag:$0x1] =	stream.indirect.gather [hbm4b:s4+s14], $0x40, s28, s14, $0xb8;
	[tilespmem:$0x16E00] =	vst v63  }
0x34: {  	_ =	swait.ge [sflag:s26], $0x2000  }
0x35: {  	[sflag:s26] =	ssyncset.done $0x0  }
0x36: {  	s25 =	simm.s32 $0x2900;
	[sflag:s26] =	ssyncadd.s32 $0xFFFFE000  }
0x37: {  	[spmem:s2] =	stream.indirect.scatter.add.f32 [tilespmem:s18], [sflag:$0x7], $0x40, s25, s14, $0xb8;
	[tilespmem:$0x16E00] =	vst v63  }
0x38: {  	_ =	swait.ge [sflag:s29], $0x2000  }
0x39: {  	[sflag:s29] =	ssyncset.done $0x0  }
0x3a: {  	s28 =	simm.s32 $0x280;
	[sflag:s29] =	ssyncadd.s32 $0xFFFFE000  }
0x3b: {  	[tilespmem:s16], [sflag:$0x2] =	stream.indirect.gather [hbm4b:s4+s14], $0x40, s28, s14, $0xb8;
	[tilespmem:$0x16E00] =	vst v63  }
0x3c: {  	_ =	swait.ge [sflag:s31], $0x2000  }
0x3d: {  	[sflag:s31] =	ssyncset.done $0x0  }
0x3e: {  	s25 =	simm.s32 $0x2980;
	[sflag:s31] =	ssyncadd.s32 $0xFFFFE000  }
0x3f: {  	[spmem:s2] =	stream.indirect.scatter.add.f32 [tilespmem:s21], [sflag:$0x8], $0x40, s25, s14, $0xb8;
	[tilespmem:$0x16E00] =	vst v63  }
0x40: {  	_ =	swait.ge [sflag:s1], $0x2000  }
0x41: {  	[sflag:s1] =	ssyncset.done $0x0  }
0x42: {  	s28 =	simm.s32 $0x300;
	[sflag:s1] =	ssyncadd.s32 $0xFFFFE000  }
0x43: {  	[tilespmem:s18], [sflag:$0x3] =	stream.indirect.gather [hbm4b:s4+s14], $0x40, s28, s14, $0xb8;
	[tilespmem:$0x16E00] =	vst v63  }
0x44: {  	_ =	swait.ge [sflag:s19], $0x2000  }
0x45: {  	[sflag:s19] =	ssyncset.done $0x0  }
0x46: {  	s25 =	simm.s32 $0x2A00;
	[sflag:s19] =	ssyncadd.s32 $0xFFFFE000  }
0x47: {  	[spmem:s2] =	stream.indirect.scatter.add.f32 [tilespmem:s15], [sflag:$0x5], $0x40, s25, s14, $0xb8;
	[tilespmem:$0x16E00] =	vst v63  }
0x48: {  	_ =	swait.ge [sflag:s17], $0x2000  }
0x49: {  	[sflag:s17] =	ssyncset.done $0x0  }
0x4a: {  	s28 =	simm.s32 $0x380;
	[sflag:s17] =	ssyncadd.s32 $0xFFFFE000  }
0x4b: {  	[tilespmem:s21], [sflag:$0x4] =	stream.indirect.gather [hbm4b:s4+s14], $0x40, s28, s14, $0xb8;
	[tilespmem:$0x16E00] =	vst v63  }
0x4c: {  	_ =	swait.ge [sflag:s22], $0x2000  }
0x4d: {  	[sflag:s22] =	ssyncset.done $0x0  }
0x4e: {  	s25 =	simm.s32 $0x2A80;
	[sflag:s22] =	ssyncadd.s32 $0xFFFFE000  }
0x4f: {  	[spmem:s2] =	stream.indirect.scatter.add.f32 [tilespmem:s16], [sflag:$0x6], $0x40, s25, s14, $0xb8;
	[tilespmem:$0x16E00] =	vst v63  }
0x50: {  	_ =	swait.ge [sflag:s24], $0x2000  }
0x51: {  	[sflag:s24] =	ssyncset.done $0x0  }
0x52: {  	s28 =	simm.s32 $0x400;
	[sflag:s24] =	ssyncadd.s32 $0xFFFFE000  }
0x53: {  	[tilespmem:s15], [sflag:$0x1] =	stream.indirect.gather [hbm4b:s4+s14], $0x40, s28, s14, $0xb8;
	[tilespmem:$0x16E00] =	vst v63  }
0x54: {  	_ =	swait.ge [sflag:s26], $0x2000  }
0x55: {  	[sflag:s26] =	ssyncset.done $0x0  }
0x56: {  	s25 =	simm.s32 $0x2B00;
	[sflag:s26] =	ssyncadd.s32 $0xFFFFE000  }
0x57: {  	[spmem:s2] =	stream.indirect.scatter.add.f32 [tilespmem:s18], [sflag:$0x7], $0x40, s25, s14, $0xb8;
	[tilespmem:$0x16E00] =	vst v63  }
0x58: {  	_ =	swait.ge [sflag:s29], $0x2000  }
0x59: {  	[sflag:s29] =	ssyncset.done $0x0  }
0x5a: {  	s28 =	simm.s32 $0x480;
	[sflag:s29] =	ssyncadd.s32 $0xFFFFE000  }
0x5b: {  	[tilespmem:s16], [sflag:$0x2] =	stream.indirect.gather [hbm4b:s4+s14], $0x40, s28, s14, $0xb8;
	[tilespmem:$0x16E00] =	vst v63  }
0x5c: {  	_ =	swait.ge [sflag:s31], $0x2000  }
0x5d: {  	[sflag:s31] =	ssyncset.done $0x0  }
0x5e: {  	s23 =	simm.s32 $0x800;
	s25 =	simm.s32 $0x2B80;
	[sflag:s31] =	ssyncadd.s32 $0xFFFFE000  }
.LBB2_2:
0x5f: {  	[spmem:s2] =	stream.indirect.scatter.add.f32 [tilespmem:s21], [sflag:$0x8], $0x40, s25, s14, $0xb8;
	[tilespmem:$0x16E00] =	vst v63  }
0x60: {  	s25 =	smov.u32 s23  }
0x61: {  	p0 =	sne.s32 s23, $0x8800;
	s23 =	sadd.s32 $0x800, s23;
	_ =	swait.ge [sflag:s1], $0x2000  }
0x62: {  	s25 =	sshra.s32 s25, $0x2;
	[sflag:s1] =	ssyncset.done $0x0  }
0x63: {  	s28 =	sadd.s32 $0x300, s25;
	[sflag:s1] =	ssyncadd.s32 $0xFFFFE000  }
0x64: {  	[tilespmem:s18], [sflag:$0x3] =	stream.indirect.gather [hbm4b:s4+s14], $0x40, s28, s14, $0xb8;
	[tilespmem:$0x16E00] =	vst v63  }
0x65: {  	_ =	swait.ge [sflag:s19], $0x2000  }
0x66: {  	[sflag:s19] =	ssyncset.done $0x0  }
0x67: {  	s28 =	sadd.s32 $0x2A00, s25;
	[sflag:s19] =	ssyncadd.s32 $0xFFFFE000  }
0x68: {  	[spmem:s2] =	stream.indirect.scatter.add.f32 [tilespmem:s15], [sflag:$0x5], $0x40, s28, s14, $0xb8;
	[tilespmem:$0x16E00] =	vst v63  }
0x69: {  	_ =	swait.ge [sflag:s17], $0x2000  }
0x6a: {  	[sflag:s17] =	ssyncset.done $0x0  }
0x6b: {  	s28 =	sadd.s32 $0x380, s25;
	[sflag:s17] =	ssyncadd.s32 $0xFFFFE000  }
0x6c: {  	[tilespmem:s21], [sflag:$0x4] =	stream.indirect.gather [hbm4b:s4+s14], $0x40, s28, s14, $0xb8;
	[tilespmem:$0x16E00] =	vst v63  }
0x6d: {  	_ =	swait.ge [sflag:s22], $0x2000  }
0x6e: {  	[sflag:s22] =	ssyncset.done $0x0  }
0x6f: {  	s28 =	sadd.s32 $0x2A80, s25;
	[sflag:s22] =	ssyncadd.s32 $0xFFFFE000  }
0x70: {  	[spmem:s2] =	stream.indirect.scatter.add.f32 [tilespmem:s16], [sflag:$0x6], $0x40, s28, s14, $0xb8;
	[tilespmem:$0x16E00] =	vst v63  }
0x71: {  	_ =	swait.ge [sflag:s24], $0x2000  }
0x72: {  	[sflag:s24] =	ssyncset.done $0x0  }
0x73: {  	s28 =	sadd.s32 $0x400, s25;
	[sflag:s24] =	ssyncadd.s32 $0xFFFFE000  }
0x74: {  	[tilespmem:s15], [sflag:$0x1] =	stream.indirect.gather [hbm4b:s4+s14], $0x40, s28, s14, $0xb8;
	[tilespmem:$0x16E00] =	vst v63  }
0x75: {  	_ =	swait.ge [sflag:s26], $0x2000  }
0x76: {  	[sflag:s26] =	ssyncset.done $0x0  }
0x77: {  	s28 =	sadd.s32 $0x2B00, s25;
	[sflag:s26] =	ssyncadd.s32 $0xFFFFE000  }
0x78: {  	[spmem:s2] =	stream.indirect.scatter.add.f32 [tilespmem:s18], [sflag:$0x7], $0x40, s28, s14, $0xb8;
	[tilespmem:$0x16E00] =	vst v63  }
0x79: {  	_ =	swait.ge [sflag:s29], $0x2000  }
0x7a: {  	[sflag:s29] =	ssyncset.done $0x0  }
.Ltmp0:
0x7b: {  	s28 =	sadd.s32 $0x480, s25;
	[sflag:s29] =	ssyncadd.s32 $0xFFFFE000;
	(pc) =	sbr.rel @p0 .LBB2_2-.Ltmp0, $4  }
0x7c: {  	[tilespmem:s16], [sflag:$0x2] =	stream.indirect.gather [hbm4b:s4+s14], $0x40, s28, s14, $0xb8;
	[tilespmem:$0x16E00] =	vst v63  }
0x7d: {  	_ =	swait.ge [sflag:s31], $0x2000  }
0x7e: {  	[sflag:s31] =	ssyncset.done $0x0  }
0x7f: {  	s25 =	sadd.s32 $0x2B80, s25;
	[sflag:s31] =	ssyncadd.s32 $0xFFFFE000  }
0x80: {  	[spmem:s2] =	stream.indirect.scatter.add.f32 [tilespmem:s21], [sflag:$0x8], $0x40, s25, s14, $0xb8;
	[tilespmem:$0x16E00] =	vst v63  }
0x81: {  	_ =	swait.ge [sflag:s1], $0x2000  }
0x82: {  	[sflag:s1] =	ssyncset.done $0x0  }
0x83: {  	s23 =	simm.s32 $0x2700;
	[sflag:s1] =	ssyncadd.s32 $0xFFFFE000  }
0x84: {  	[tilespmem:s18], [sflag:$0x3] =	stream.indirect.gather [hbm4b:s4+s14], $0x40, s23, s14, $0xb8;
	[tilespmem:$0x16E00] =	vst v63  }
0x85: {  	_ =	swait.ge [sflag:s19], $0x2000  }
0x86: {  	[sflag:s19] =	ssyncset.done $0x0  }
0x87: {  	s28 =	simm.s32 $0x4E00;
	[sflag:s19] =	ssyncadd.s32 $0xFFFFE000  }
0x88: {  	[spmem:s2] =	stream.indirect.scatter.add.f32 [tilespmem:s15], [sflag:$0x5], $0x40, s28, s14, $0xb8;
	[tilespmem:$0x16E00] =	vst v63  }
0x89: {  	_ =	swait.ge [sflag:s17], $0x2000  }
0x8a: {  	[sflag:s17] =	ssyncset.done $0x0  }
0x8b: {  	s25 =	simm.s32 $0x2780;
	[sflag:s17] =	ssyncadd.s32 $0xFFFFE000  }
0x8c: {  	[tilespmem:s21], [sflag:$0x4] =	stream.indirect.gather [hbm4b:s4+s14], $0x40, s25, s14, $0xb8;
	[tilespmem:$0x16E00] =	vst v63  }
0x8d: {  	_ =	swait.ge [sflag:s22], $0x2000  }
0x8e: {  	[sflag:s22] =	ssyncset.done $0x0  }
0x8f: {  	s28 =	simm.s32 $0x4E80;
	[sflag:s22] =	ssyncadd.s32 $0xFFFFE000  }
0x90: {  	[spmem:s2] =	stream.indirect.scatter.add.f32 [tilespmem:s16], [sflag:$0x6], $0x40, s28, s14, $0xb8;
	[tilespmem:$0x16E00] =	vst v63  }
0x91: {  	_ =	swait.ge [sflag:s26], $0x2000  }
0x92: {  	[sflag:s26] =	ssyncset.done $0x0  }
0x93: {  	[sflag:s26] =	ssyncadd.s32 $0xFFFFE000  }
0x94: {  	[spmem:s2] =	stream.indirect.scatter.add.f32 [tilespmem:s18], [sflag:$0x7], $0x40, s30, s14, $0xb8;
	[tilespmem:$0x16E00] =	vst v63  }
0x95: {  	_ =	swait.ge [sflag:s31], $0x2000  }
0x96: {  	[sflag:s31] =	ssyncset.done $0x0  }
0x97: {  	[sflag:s31] =	ssyncadd.s32 $0xFFFFE000  }
0x98: {  	[spmem:s2] =	stream.indirect.scatter.add.f32 [tilespmem:s21], [sflag:$0x8], $0x40, s0, s14, $0xb8;
	[tilespmem:$0x16E00] =	vst v63  }
0x99: {  	_ =	swait.ge [sflag:s24], $0x2000  }
0x9a: {  	[sflag:s24] =	ssyncset.done $0x0  }
0x9b: {  	[sflag:s24] =	ssyncadd.s32 $0xFFFFE000  }
0x9c: {  	_ =	swait.ge [sflag:s29], $0x2000  }
0x9d: {  	[sflag:s29] =	ssyncset.done $0x0  }
0x9e: {  	[sflag:s29] =	ssyncadd.s32 $0xFFFFE000  }
0x9f: {  	_ =	swait.ge [sflag:s1], $0x2000  }
0xa0: {  	[sflag:s1] =	ssyncset.done $0x0  }
0xa1: {  	[sflag:s1] =	ssyncadd.s32 $0xFFFFE000  }
0xa2: {  	_ =	swait.ge [sflag:s17], $0x2000  }
0xa3: {  	s20 =	sadd.s32 $0x1, s20;
	[sflag:s17] =	ssyncset.done $0x0  }
0xa4: {  	p0 =	sne.s32 s20, s9;
	[sflag:s17] =	ssyncadd.s32 $0xFFFFE000  }
.Ltmp1:
0xa5: {  	[bflag:$0x0] =	sbarrier.arrive $0xFFFF;
	(pc) =	sbr.rel @p0 .LBB2_1-.Ltmp1, $4  }
0xa6: {  	[hbm:s8], [sflag:s12] =	dma.local [spmem:s13], $0x13C0  }
0xa7: {  	_ =	swait.ge [sflag:s10], $0x13C0  }
0xa8: {  	[sflag:s10] =	ssyncset.done $0x0  }
0xa9: {  	[sflag:s10] =	ssyncadd.s32 $0xFFFFEC40  }
0xaa: {  	_ =	sfence.sel $0x180000  }
0xab: {  	[bflag:$0x0] =	sbarrier.arrive $0xFFFF  }
0xac: {  	_ =	strace $0x90000047  }
0xad: {  	s0 =	stileid.u32;
	[bflag:$0x2] =	sbarrier.arrive $0xFFFF  }
0xae: {  	p0 =	sne.s32 s0, $0x0;
	s0 =	rddreg [dreg:$0x3]  }
0xaf: {  	s0 =	sadd.s32 @!p0 $0x100000, s0  }
0xb0: {  	[sflag:s0] =	ssyncadd.tile.s32 @!p0 $0x1;
	_ =	shalt  }
.Lfunc_end2:
_tile_overlayer_lowered:
.L_overlay_start_2:
0xb1: {  	(tag) =	ssettag $0x2  }
0xb2: {  	s0 =	rddreg [dreg:$0x0];
	s2 =	stileid.u32  }
0xb3: {  	s1 =	rddreg [dreg:$0x1];
	p0 =	sne.s32 s2, $0x0  }
0xb4: {  	s3 =	rddreg [dreg:$0x2];
	[bflag:$0x3] =	sbarrier.arrive $0xFFFF;
	s2 =	simm.s32 @!p0 $0x1C09  }
0xb5: {  	[timem:s3], [sflag:s2] =	dma.local @!p0 [hbm:s0], s1  }
0xb6: {  	s0 =	simm.s32 @!p0 $0x9  }
0xb7: {  	_ =	swait.ge @!p0 [sflag:s0], s1  }
0xb8: {  	s1 =	ssub.s32 @!p0 $0x0, s1;
	[sflag:s0] =	ssyncset.done @!p0 $0x0  }
0xb9: {  	[sflag:s0] =	ssyncadd.s32 @!p0 s1  }
0xba: {  	[bflag:$0x3] =	sbarrier.arrive $0xFFFF  }
0xbb: {  	_ =	shalt  }

// kernel: sc_segsum.7.cloned.1.call-start
scs
__scs_entry_jumppad:
0x0: {  	(pc) =	sbr.rel $0x88, $3  }
0x1: {  	(tag) =	ssettag $0x0;
	lr =	simm.s32 $0x1  }
0x2: {  	[smem:$0x3F80] =	sst lr;
	_ =	strace $0xD0000000  }
0x3: {  	_ = 	snop  }
0x4: {  	_ = 	snop  }
0x5: {  	_ = 	snop  }
0x6: {  	_ = 	snop  }
0x7: {  	_ = 	snop  }
__scs_overlays_trampoline_lowered:
0x8: {  	[smem:$0x3F8F] =	sst s0  }
0x9: {  	[smem:$0x3F90] =	sst s1  }
0xa: {  	[smem:$0x3F91] =	sst s2  }
0xb: {  	[smem:$0x3F92] =	sst s3  }
0xc: {  	[smem:$0x3F93] =	sst s4  }
0xd: {  	[smem:$0x3F94] =	sst s5  }
0xe: {  	[smem:$0x3F95] =	sst s6  }
0xf: {  	[smem:$0x3F96] =	sst s7  }
0x10: {  	[smem:$0x3F97] =	sst s8  }
0x11: {  	[smem:$0x3F98] =	sst s9;
	s0 =	simm.s32 @!p0 $0x0  }
0x12: {  	s1 =	sld [smem:$0x3F7E];
	s0 =	simm.s32 @p0 $0x1  }
0x13: {  	[smem:$0x3F99] =	sst s0;
	s0 =	simm.s32 @!p1 $0x0  }
0x14: {  	s2 =	sld [smem:$0x3F7D];
	s0 =	simm.s32 @p1 $0x1  }
0x15: {  	[smem:$0x3F9A] =	sst s0;
	s0 =	simm.s32 @!p2 $0x0  }
0x16: {  	s3 =	sld [smem:$0x3FDB];
	s0 =	simm.s32 @p2 $0x1  }
0x17: {  	s4 =	simm.s32 $0x1BF5;
	[smem:$0x3F9C] =	sst s0  }
0x18: {  	s0 =	sld [smem:$0x3F7F];
	_ =	swait.ge [sflag:s4], $0x0  }
0x19: {  	s7 =	sld [smem:$0x3F80]  }
0x1a: {  	s8 =	sadd.s32 $0xFFFFE003, lr  }
0x1b: {  	s9 =	sadd.s32 $0xFFFFFEF7, lr;
	s5 =	simm.s32 $0xFFFFFFFF;
	p2 =	slt.u32 s8, $0xFFFFF086  }
0x1c: {  	p1 =	slt.u32 s9, $0xF7A;
	s5 =	simm.s32 @!p2 $0x0  }
0x1d: {  	s5 =	simm.s32 @p1 $0x1;
	p0 =	seq.s32 s7, s2  }
0x1e: {  	s7 =	smul.u32 @!p0 $0xF7A, s2;
	p2 =	seq.s32 @!p0 s5, $0x0  }
0x1f: {  	s9 =	smul.u32 $0xF7A, s1;
	s8 =	simm.s32 @!p0 $0x1BF5;
	p2 =	por !p2, p0  }
0x20: {  	[sflag:s8] =	ssyncset.s32 @!p0 $0xFFFFF086;
	s6 =	sadd.s32 @!p0 s3, s7;
	s7 =	simm.s32 @!p0 $0x108  }
0x21: {  	s3 =	sadd.s32 s3, s9;
	s6 =	sadd.s32 @!p0 $0x88, s6;
	s7 =	simm.s32 @p2 $0x1082  }
0x22: {  	[simem:s7], [sflag:s8] =	dma.local @!p0 [hbm:s6], $0xF7A  }
0x23: {  	s9 =	sor.u32 $0xD0000000, s2;
	s6 =	simm.s32 $0x108;
	_ =	swait.ge @!p0 [sflag:s8], $0x0  }
0x24: {  	s3 =	sadd.s32 $0x88, s3;
	s6 =	simm.s32 @!p1 $0x1082;
	[sflag:s4] =	ssyncset.s32 $0xFFFFF086  }
0x25: {  	[simem:s6], [sflag:s4] =	dma.local [hbm:s3], $0xF7A  }
0x26: {  	[smem:$0x3F80] =	sst s1;
	(tag) =	ssettag s2;
	_ =	strace s9  }
0x27: {  	s1 =	sld [smem:$0x3F90]  }
0x28: {  	s2 =	sld [smem:$0x3F91]  }
0x29: {  	s4 =	sld [smem:$0x3F93]  }
0x2a: {  	p0 =	seq.s32 s5, $0x0;
	s5 =	sld [smem:$0x3F94]  }
0x2b: {  	s6 =	sld [smem:$0x3F95]  }
0x2c: {  	s7 =	sld [smem:$0x3F96]  }
0x2d: {  	s3 =	simm.s32 $0x108;
	s8 =	sld [smem:$0x3F97]  }
0x2e: {  	s3 =	simm.s32 @!p0 $0x1082;
	s9 =	sld [smem:$0x3F98]  }
0x2f: {  	lr =	sadd.s32 s0, s3;
	s0 =	sld [smem:$0x3F8F]  }
0x30: {  	s3 =	sld [smem:$0x3F92]  }
0x31: {  	[smem:$0x3F9B] =	sst s10  }
0x32: {  	s10 =	sld [smem:$0x3F99];
	_ =	sdelay $0x3  }
0x33: {  	p0 =	seq.s32 s10, $0x1;
	s10 =	sld [smem:$0x3F9B];
	_ =	sdelay $0x3  }
0x34: {  	[smem:$0x3F9B] =	sst s10  }
0x35: {  	s10 =	sld [smem:$0x3F9A];
	_ =	sdelay $0x3  }
0x36: {  	p1 =	seq.s32 s10, $0x1;
	s10 =	sld [smem:$0x3F9B];
	_ =	sdelay $0x3  }
0x37: {  	[smem:$0x3F9B] =	sst s10  }
0x38: {  	s10 =	sld [smem:$0x3F9C]  }
0x39: {  	_ = 	snop;
	(pc) =	sbr.ind lr, $3  }
0x3a: {  	_ = 	snop  }
0x3b: {  	_ = 	snop  }
0x3c: {  	p2 =	seq.s32 s10, $0x1;
	s10 =	sld [smem:$0x3F9B]  }
0x3d: {  	_ =	shalt  }
0x3e: {  	_ =	shalt  }
0x3f: {  	_ =	shalt  }
0x40: {  	_ =	shalt  }
0x41: {  	_ =	shalt  }
0x42: {  	_ =	shalt  }
0x43: {  	_ =	shalt  }
0x44: {  	_ =	shalt  }
0x45: {  	_ =	shalt  }
0x46: {  	_ =	shalt  }
0x47: {  	_ =	shalt  }
0x48: {  	_ =	shalt  }
0x49: {  	_ =	shalt  }
0x4a: {  	_ =	shalt  }
0x4b: {  	_ =	shalt  }
0x4c: {  	_ =	shalt  }
0x4d: {  	_ =	shalt  }
0x4e: {  	_ =	shalt  }
0x4f: {  	_ =	shalt  }
0x50: {  	_ =	shalt  }
0x51: {  	_ =	shalt  }
0x52: {  	_ =	shalt  }
0x53: {  	_ =	shalt  }
0x54: {  	_ =	shalt  }
0x55: {  	_ =	shalt  }
0x56: {  	_ =	shalt  }
0x57: {  	_ =	shalt  }
0x58: {  	_ =	shalt  }
0x59: {  	_ =	shalt  }
0x5a: {  	_ =	shalt  }
0x5b: {  	_ =	shalt  }
0x5c: {  	_ =	shalt  }
0x5d: {  	_ =	shalt  }
0x5e: {  	_ =	shalt  }
0x5f: {  	_ =	shalt  }
0x60: {  	_ =	shalt  }
0x61: {  	_ =	shalt  }
0x62: {  	_ =	shalt  }
0x63: {  	_ =	shalt  }
0x64: {  	_ =	shalt  }
0x65: {  	_ =	shalt  }
0x66: {  	_ =	shalt  }
0x67: {  	_ =	shalt  }
0x68: {  	_ =	shalt  }
0x69: {  	_ =	shalt  }
0x6a: {  	_ =	shalt  }
0x6b: {  	_ =	shalt  }
0x6c: {  	_ =	shalt  }
0x6d: {  	_ =	shalt  }
0x6e: {  	_ =	shalt  }
0x6f: {  	_ =	shalt  }
0x70: {  	_ =	shalt  }
0x71: {  	_ =	shalt  }
0x72: {  	_ =	shalt  }
0x73: {  	_ =	shalt  }
0x74: {  	_ =	shalt  }
0x75: {  	_ =	shalt  }
0x76: {  	_ =	shalt  }
0x77: {  	_ =	shalt  }
0x78: {  	_ =	shalt  }
0x79: {  	_ =	shalt  }
0x7a: {  	_ =	shalt  }
0x7b: {  	_ =	shalt  }
0x7c: {  	_ =	shalt  }
0x7d: {  	_ =	shalt  }
0x7e: {  	_ =	shalt  }
0x7f: {  	_ =	shalt  }
0x80: {  	_ =	shalt  }
0x81: {  	_ =	shalt  }
0x82: {  	_ =	shalt  }
0x83: {  	_ =	shalt  }
0x84: {  	_ =	shalt  }
0x85: {  	_ =	shalt  }
0x86: {  	_ =	shalt  }
0x87: {  	_ =	shalt  }
.Lfunc_end0:
.L_simem_size_0:
called_computation.1_lowered:
.L_overlay_start_0:
0x88: {  	s2 =	sld [smem:$0x3FD9]  }
0x89: {  	s3 =	sld [smem:$0x3FFE];
	_ =	sdelay $0x1  }
0x8a: {  	s1 =	srdreg.scid  }
0x8b: {  	s0 =	sand.u32 $0x1, s1  }
0x8c: {  	s14 =	sshll.u32 s0, $0xA;
	s2 =	sadd.s32 s3, s2  }
0x8d: {  	s2 =	sadd.s32 s2, s14  }
0x8e: {  	[smem:$0x3FA7] =	sst s2  }
0x8f: {  	_ = 	snop  }
0x90: {  	s2 =	sld [smem:$0x3FD0];
	_ =	sdelay $0x2  }
0x91: {  	s15 =	simm.s32 $0xA;
	s4 =	simm.s32 $0x10  }
0x92: {  	[smem:s4], [sflag:s15] =	dma.local [hbm:s2], $0x1  }
0x93: {  	_ =	swait.eq [sflag:s15], $0x1  }
0x94: {  	[sflag:s15] =	ssyncset.done $0x0  }
0x95: {  	[sflag:s15] =	ssyncadd.s32 $0xFFFFFFFF  }
0x96: {  	s16 =	sld [smem:$0x11];
	(tm) =	ssettm $0x1  }
0x97: {  	s17 =	sld [smem:$0x3FFB];
	_ =	sdelay $0x3  }
0x98: {  	_ =	strace s17  }
0x99: {  	s3 =	sld [smem:$0x3FFC];
	_ =	sdelay $0x3  }
0x9a: {  	_ =	strace s3  }
0x9b: {  	s3 =	sld [smem:$0x3FFD];
	_ =	sdelay $0x3  }
0x9c: {  	_ =	strace s3  }
0x9d: {  	_ =	strace $0x8FFFFFFF  }
0x9e: {  	s18 =	sld [smem:$0x3FDB];
	_ =	sdelay $0x1  }
0x9f: {  	s19 =	simm.s32 $_scs_section_size  }
0xa0: {  	s5 =	simm.s32 $_size__tile_overlayer_lowered;
	s6 =	simm.s32 $_tile_overlayer_lowered  }
0xa1: {  	s22 =	simm.s32 $0x1BFF;
	s21 =	sshll.u32 s6, $0x1;
	s3 =	sadd.s32 s19, s18  }
0xa2: {  	s7 =	simm.s32 $0x0;
	s20 =	sshll.u32 s5, $0x1;
	s5 =	sadd.s32 s21, s3  }
0xa3: {  	[timem:s7], [sflag:s22] =	dma.local [hbm:s5], s20  }
0xa4: {  	_ =	swait.ge [sflag:s22], s20  }
0xa5: {  	s4 =	ssub.s32 $0x0, s20;
	[sflag:s22] =	ssyncset.done $0x0  }
0xa6: {  	[sflag:s22] =	ssyncadd.s32 s4;
	_ =	sdelay $0x1  }
0xa7: {  	s23 =	simm.s32 $0x1B8B  }
0xa8: {  	_ =	swait.ge [sflag:s23], $0x1  }
0xa9: {  	[sflag:s23] =	ssyncset.done $0x0  }
0xaa: {  	s25 =	simm.s32 $0x1B8E;
	s24 =	sld [smem:$0x3FFE];
	[sflag:s23] =	ssyncadd.s32 $0xFFFFFFFF  }
0xab: {  	s26 =	simm.s32 $execute0_lowered;
	[smem:$0x3FD2] =	sst s25  }
0xac: {  	s5 =	sshll.u32 s26, $0x1;
	_ =	strace $0x80000049;
	[dreg:$0x1] =	wrdreg $0xFFFFFFFF  }
0xad: {  	s28 =	simm.s32 $_size_execute0_lowered;
	s3 =	sadd.s32 s3, s5;
	[dreg:$0x0] =	wrdreg $0x0  }
0xae: {  	s5 =	sshll.u32 s28, $0x1;
	[dreg:$0x2] =	wrdreg s3  }
0xaf: {  	[dreg:$0x3] =	wrdreg s5  }
0xb0: {  	[dreg:$0x4] =	wrdreg $0xC0  }
0xb1: {  	_ =	task [dreg:s7], $0x5FFFF  }
0xb2: {  	[dreg:$0x1] =	wrdreg $0xFFFFFFFF  }
0xb3: {  	[dreg:$0x0] =	wrdreg $0x60  }
0xb4: {  	[dreg:$0x2] =	wrdreg s24  }
0xb5: {  	[dreg:$0x3] =	wrdreg s16  }
0xb6: {  	[dreg:$0x4] =	wrdreg $0xD0000  }
0xb7: {  	[dreg:$0x5] =	wrdreg $0x9  }
0xb8: {  	_ =	task.clear_ibuf [dreg:s7], $0x6FFFF;
	_ =	strace $0x90000049  }
0xb9: {  	s29 =	simm.s32 $0x9;
	_ =	strace $0x8000004B  }
0xba: {  	_ =	swait.ge [sflag:s29], $0x1  }
0xbb: {  	[sflag:s29] =	ssyncadd.s32 $0xFFFFFFFF  }
0xbc: {  	_ =	strace $0x9000004B  }
0xbd: {  	_ =	sfence  }
0xbe: {  	s30 =	sld [smem:$0x0];
	_ =	sdelay $0x2  }
0xbf: {  	s31 =	sshll.u32 s1, $0xD;
	s1 =	sshrl.u32 s1, $0x2  }
0xc0: {  	s3 =	sand.u32 $0x4000, s31;
	s1 =	sadd.s32 s1, s30  }
0xc1: {  	s0 =	sor.u32 s3, s0;
	s1 =	sshll.u32 s1, $0x11  }
0xc2: {  	s0 =	sor.u32 s1, s0  }
0xc3: {  	s0 =	sadd.s32 $0x8F2B, s0  }
0xc4: {  	[sflag:s0] =	ssyncadd.remote.s32 $0x1  }
0xc5: {  	_ =	sfence.sel $0xFFFF  }
0xc6: {  	[dreg:$0x0] =	wrdreg $0xFFFFFFFF;
	(pc) =	sbr.abs _section_cstart, $3  }
0xc7: {  	[dreg:$0x1] =	wrdreg $0xFFFFFFFF  }
0xc8: {  	_ =	task.clear_ibuf [dreg:s7], $0x2FFFF;
	_ =	strace $0x9FFFFFFF  }
0xc9: {  	(tm) =	ssettm $0x7FFFFFFF  }
tec
execute0_lowered:
.L_overlay_start_1:
0x0: {  	(tag) =	ssettag $0x1  }
0x1: {  	s0 =	rddreg [dreg:$0x0]  }
0x2: {  	s1 =	rddreg [dreg:$0x1]  }
0x3: {  	s2 =	rddreg [dreg:$0x2]  }
0x4: {  	s4 =	srdreg.scid;
	s11 =	stileid.u32  }
0x5: {  	s3 =	simm.s32 $0x0;
	s14 =	simm.s32 $0x80;
	s15 =	simm.s32 $0x5000  }
0x6: {  	s16 =	simm.s32 $0x7000;
	s18 =	simm.s32 $0x9000;
	s19 =	simm.s32 $0x1  }
0x7: {  	s21 =	simm.s32 $0xB000;
	s22 =	simm.s32 $0x2;
	s24 =	simm.s32 $0x5  }
0x8: {  	s29 =	simm.s32 $0x6;
	s31 =	simm.s32 $0x4;
	s17 =	simm.s32 $0x8  }
0x9: {  	s30 =	simm.s32 $0x4F00;
	s20 =	simm.s32 $0x0;
	s4 =	sand.u32 $0x1, s4  }
0xa: {  	s7 =	smul.u32 $0x9E00, s11;
	[smem:$0x7FF] =	sst s3;
	s5 =	sshll.u32 s11, $0x1  }
0xb: {  	s28 =	sshll.u32 s11, $0x6;
	s11 =	simm.s32 $0x2800;
	s6 =	smul.u32 $0x9E000, s4  }
0xc: {  	_ =	strace $0x8000004A;
	s5 =	sor.u32 s4, s5;
	s8 =	ssub.s32 $0x2, s4  }
0xd: {  	s4 =	sadd.s32 $0x4200, s0;
	s12 =	sor.u32 $0x1C09, s28;
	s5 =	smul.u32 $0x500, s5  }
0xe: {  	s9 =	sshrl.u32 s8, $0x1;
	s26 =	sshrl.u32 s7, $0x3;
	s13 =	sadd.s32 s7, s2  }
0xf: {  	s6 =	sadd.s32 s7, s6;
	s9 =	ssub.s32 s8, s9;
	s7 =	sadd.s32 s1, s26  }
0x10: {  	s13 =	sshrl.u32 s13, $0x3;
	s26 =	simm.s32 $0x3;
	s1 =	simm.s32 $0x7  }
0x11: {  	s6 =	sshrl.u32 s6, $0x3;
	s10 =	sadd.s32 s5, s0;
	s9 =	smax.u32 s9, $0x1  }
0x12: {  	s0 =	sadd.s32 s6, s0;
	s5 =	sadd.s32 $0x17C00, s10;
	s6 =	sadd.s32 $0x21C00, s10  }
0x13: {  	s10 =	simm.s32 $0x9;
	s8 =	sadd.s32 $0x2BC00, s0;
	s0 =	simm.s32 $0x4F80  }
.LBB2_1:
0x14: {  	[tilespmem:s3], [sflag:$0x9] =	stream.linear.gather [hbm4b:s5+s3], $0x2800, $0x38;
	[tilespmem:$0x16E00] =	vst v63  }
0x15: {  	_ =	swait.ge [sflag:s10], $0x2800  }
0x16: {  	[sflag:s10] =	ssyncset.done $0x0  }
0x17: {  	[sflag:s10] =	ssyncadd.s32 $0xFFFFD800  }
0x18: {  	[tilespmem:s11], [sflag:$0x9] =	stream.linear.gather [hbm4b:s6+s3], $0x2800, $0x38;
	[tilespmem:$0x16E00] =	vst v63  }
0x19: {  	_ =	swait.ge [sflag:s10], $0x2800  }
0x1a: {  	[sflag:s10] =	ssyncset.done $0x0  }
0x1b: {  	[sflag:s10] =	ssyncadd.s32 $0xFFFFD800  }
0x1c: {  	[spmem:s13], [sflag:s12] =	dma.local [hbm:s7], $0x13C0  }
0x1d: {  	_ =	swait.ge [sflag:s10], $0x13C0  }
0x1e: {  	[sflag:s10] =	ssyncset.done $0x0  }
0x1f: {  	[sflag:s10] =	ssyncadd.s32 $0xFFFFEC40  }
0x20: {  	[bflag:$0x0] =	sbarrier.arrive $0xFFFF  }
0x21: {  	[tilespmem:s15], [sflag:$0x1] =	stream.indirect.gather [hbm4b:s4+s14], $0x40, s3, s14, $0xb8;
	[tilespmem:$0x16E00] =	vst v63  }
0x22: {  	_ = 	snop  }
0x23: {  	[tilespmem:s16], [sflag:$0x2] =	stream.indirect.gather [hbm4b:s4+s14], $0x40, s14, s14, $0xb8;
	[tilespmem:$0x16E00] =	vst v63  }
0x24: {  	s23 =	simm.s32 $0x100  }
0x25: {  	[tilespmem:s18], [sflag:$0x3] =	stream.indirect.gather [hbm4b:s4+s14], $0x40, s23, s14, $0xb8;
	[tilespmem:$0x16E00] =	vst v63  }
0x26: {  	_ =	swait.ge [sflag:s19], $0x2000  }
0x27: {  	[sflag:s19] =	ssyncset.done $0x0  }
0x28: {  	[sflag:s19] =	ssyncadd.s32 $0xFFFFE000  }
0x29: {  	[spmem:s2] =	stream.indirect.scatter.add.f32 [tilespmem:s15], [sflag:$0x5], $0x40, s11, s14, $0xb8;
	[tilespmem:$0x16E00] =	vst v63  }
0x2a: {  	s28 =	simm.s32 $0x180  }
0x2b: {  	[tilespmem:s21], [sflag:$0x4] =	stream.indirect.gather [hbm4b:s4+s14], $0x40, s28, s14, $0xb8;
	[tilespmem:$0x16E00] =	vst v63  }
0x2c: {  	_ =	swait.ge [sflag:s22], $0x2000  }
0x2d: {  	[sflag:s22] =	ssyncset.done $0x0  }
0x2e: {  	s25 =	simm.s32 $0x2880;
	[sflag:s22] =	ssyncadd.s32 $0xFFFFE000  }
0x2f: {  	[spmem:s2] =	stream.indirect.scatter.add.f32 [tilespmem:s16], [sflag:$0x6], $0x40, s25, s14, $0xb8;
	[tilespmem:$0x16E00] =	vst v63  }
0x30: {  	_ =	swait.ge [sflag:s24], $0x2000  }
0x31: {  	[sflag:s24] =	ssyncset.done $0x0  }
0x32: {  	s28 =	simm.s32 $0x200;
	[sflag:s24] =	ssyncadd.s32 $0xFFFFE000  }
0x33: {  	[tilespmem:s15], [sflag:$0x1] =	stream.indirect.gather [hbm4b:s4+s14], $0x40, s28, s14, $0xb8;
	[tilespmem:$0x16E00] =	vst v63  }
0x34: {  	_ =	swait.ge [sflag:s26], $0x2000  }
0x35: {  	[sflag:s26] =	ssyncset.done $0x0  }
0x36: {  	s25 =	simm.s32 $0x2900;
	[sflag:s26] =	ssyncadd.s32 $0xFFFFE000  }
0x37: {  	[spmem:s2] =	stream.indirect.scatter.add.f32 [tilespmem:s18], [sflag:$0x7], $0x40, s25, s14, $0xb8;
	[tilespmem:$0x16E00] =	vst v63  }
0x38: {  	_ =	swait.ge [sflag:s29], $0x2000  }
0x39: {  	[sflag:s29] =	ssyncset.done $0x0  }
0x3a: {  	s28 =	simm.s32 $0x280;
	[sflag:s29] =	ssyncadd.s32 $0xFFFFE000  }
0x3b: {  	[tilespmem:s16], [sflag:$0x2] =	stream.indirect.gather [hbm4b:s4+s14], $0x40, s28, s14, $0xb8;
	[tilespmem:$0x16E00] =	vst v63  }
0x3c: {  	_ =	swait.ge [sflag:s31], $0x2000  }
0x3d: {  	[sflag:s31] =	ssyncset.done $0x0  }
0x3e: {  	s25 =	simm.s32 $0x2980;
	[sflag:s31] =	ssyncadd.s32 $0xFFFFE000  }
0x3f: {  	[spmem:s2] =	stream.indirect.scatter.add.f32 [tilespmem:s21], [sflag:$0x8], $0x40, s25, s14, $0xb8;
	[tilespmem:$0x16E00] =	vst v63  }
0x40: {  	_ =	swait.ge [sflag:s1], $0x2000  }
0x41: {  	[sflag:s1] =	ssyncset.done $0x0  }
0x42: {  	s28 =	simm.s32 $0x300;
	[sflag:s1] =	ssyncadd.s32 $0xFFFFE000  }
0x43: {  	[tilespmem:s18], [sflag:$0x3] =	stream.indirect.gather [hbm4b:s4+s14], $0x40, s28, s14, $0xb8;
	[tilespmem:$0x16E00] =	vst v63  }
0x44: {  	_ =	swait.ge [sflag:s19], $0x2000  }
0x45: {  	[sflag:s19] =	ssyncset.done $0x0  }
0x46: {  	s25 =	simm.s32 $0x2A00;
	[sflag:s19] =	ssyncadd.s32 $0xFFFFE000  }
0x47: {  	[spmem:s2] =	stream.indirect.scatter.add.f32 [tilespmem:s15], [sflag:$0x5], $0x40, s25, s14, $0xb8;
	[tilespmem:$0x16E00] =	vst v63  }
0x48: {  	_ =	swait.ge [sflag:s17], $0x2000  }
0x49: {  	[sflag:s17] =	ssyncset.done $0x0  }
0x4a: {  	s28 =	simm.s32 $0x380;
	[sflag:s17] =	ssyncadd.s32 $0xFFFFE000  }
0x4b: {  	[tilespmem:s21], [sflag:$0x4] =	stream.indirect.gather [hbm4b:s4+s14], $0x40, s28, s14, $0xb8;
	[tilespmem:$0x16E00] =	vst v63  }
0x4c: {  	_ =	swait.ge [sflag:s22], $0x2000  }
0x4d: {  	[sflag:s22] =	ssyncset.done $0x0  }
0x4e: {  	s25 =	simm.s32 $0x2A80;
	[sflag:s22] =	ssyncadd.s32 $0xFFFFE000  }
0x4f: {  	[spmem:s2] =	stream.indirect.scatter.add.f32 [tilespmem:s16], [sflag:$0x6], $0x40, s25, s14, $0xb8;
	[tilespmem:$0x16E00] =	vst v63  }
0x50: {  	_ =	swait.ge [sflag:s24], $0x2000  }
0x51: {  	[sflag:s24] =	ssyncset.done $0x0  }
0x52: {  	s28 =	simm.s32 $0x400;
	[sflag:s24] =	ssyncadd.s32 $0xFFFFE000  }
0x53: {  	[tilespmem:s15], [sflag:$0x1] =	stream.indirect.gather [hbm4b:s4+s14], $0x40, s28, s14, $0xb8;
	[tilespmem:$0x16E00] =	vst v63  }
0x54: {  	_ =	swait.ge [sflag:s26], $0x2000  }
0x55: {  	[sflag:s26] =	ssyncset.done $0x0  }
0x56: {  	s25 =	simm.s32 $0x2B00;
	[sflag:s26] =	ssyncadd.s32 $0xFFFFE000  }
0x57: {  	[spmem:s2] =	stream.indirect.scatter.add.f32 [tilespmem:s18], [sflag:$0x7], $0x40, s25, s14, $0xb8;
	[tilespmem:$0x16E00] =	vst v63  }
0x58: {  	_ =	swait.ge [sflag:s29], $0x2000  }
0x59: {  	[sflag:s29] =	ssyncset.done $0x0  }
0x5a: {  	s28 =	simm.s32 $0x480;
	[sflag:s29] =	ssyncadd.s32 $0xFFFFE000  }
0x5b: {  	[tilespmem:s16], [sflag:$0x2] =	stream.indirect.gather [hbm4b:s4+s14], $0x40, s28, s14, $0xb8;
	[tilespmem:$0x16E00] =	vst v63  }
0x5c: {  	_ =	swait.ge [sflag:s31], $0x2000  }
0x5d: {  	[sflag:s31] =	ssyncset.done $0x0  }
0x5e: {  	s23 =	simm.s32 $0x800;
	s25 =	simm.s32 $0x2B80;
	[sflag:s31] =	ssyncadd.s32 $0xFFFFE000  }
.LBB2_2:
0x5f: {  	[spmem:s2] =	stream.indirect.scatter.add.f32 [tilespmem:s21], [sflag:$0x8], $0x40, s25, s14, $0xb8;
	[tilespmem:$0x16E00] =	vst v63  }
0x60: {  	s25 =	smov.u32 s23  }
0x61: {  	p0 =	sne.s32 s23, $0x8800;
	s23 =	sadd.s32 $0x800, s23;
	_ =	swait.ge [sflag:s1], $0x2000  }
0x62: {  	s25 =	sshra.s32 s25, $0x2;
	[sflag:s1] =	ssyncset.done $0x0  }
0x63: {  	s28 =	sadd.s32 $0x300, s25;
	[sflag:s1] =	ssyncadd.s32 $0xFFFFE000  }
0x64: {  	[tilespmem:s18], [sflag:$0x3] =	stream.indirect.gather [hbm4b:s4+s14], $0x40, s28, s14, $0xb8;
	[tilespmem:$0x16E00] =	vst v63  }
0x65: {  	_ =	swait.ge [sflag:s19], $0x2000  }
0x66: {  	[sflag:s19] =	ssyncset.done $0x0  }
0x67: {  	s28 =	sadd.s32 $0x2A00, s25;
	[sflag:s19] =	ssyncadd.s32 $0xFFFFE000  }
0x68: {  	[spmem:s2] =	stream.indirect.scatter.add.f32 [tilespmem:s15], [sflag:$0x5], $0x40, s28, s14, $0xb8;
	[tilespmem:$0x16E00] =	vst v63  }
0x69: {  	_ =	swait.ge [sflag:s17], $0x2000  }
0x6a: {  	[sflag:s17] =	ssyncset.done $0x0  }
0x6b: {  	s28 =	sadd.s32 $0x380, s25;
	[sflag:s17] =	ssyncadd.s32 $0xFFFFE000  }
0x6c: {  	[tilespmem:s21], [sflag:$0x4] =	stream.indirect.gather [hbm4b:s4+s14], $0x40, s28, s14, $0xb8;
	[tilespmem:$0x16E00] =	vst v63  }
0x6d: {  	_ =	swait.ge [sflag:s22], $0x2000  }
0x6e: {  	[sflag:s22] =	ssyncset.done $0x0  }
0x6f: {  	s28 =	sadd.s32 $0x2A80, s25;
	[sflag:s22] =	ssyncadd.s32 $0xFFFFE000  }
0x70: {  	[spmem:s2] =	stream.indirect.scatter.add.f32 [tilespmem:s16], [sflag:$0x6], $0x40, s28, s14, $0xb8;
	[tilespmem:$0x16E00] =	vst v63  }
0x71: {  	_ =	swait.ge [sflag:s24], $0x2000  }
0x72: {  	[sflag:s24] =	ssyncset.done $0x0  }
0x73: {  	s28 =	sadd.s32 $0x400, s25;
	[sflag:s24] =	ssyncadd.s32 $0xFFFFE000  }
0x74: {  	[tilespmem:s15], [sflag:$0x1] =	stream.indirect.gather [hbm4b:s4+s14], $0x40, s28, s14, $0xb8;
	[tilespmem:$0x16E00] =	vst v63  }
0x75: {  	_ =	swait.ge [sflag:s26], $0x2000  }
0x76: {  	[sflag:s26] =	ssyncset.done $0x0  }
0x77: {  	s28 =	sadd.s32 $0x2B00, s25;
	[sflag:s26] =	ssyncadd.s32 $0xFFFFE000  }
0x78: {  	[spmem:s2] =	stream.indirect.scatter.add.f32 [tilespmem:s18], [sflag:$0x7], $0x40, s28, s14, $0xb8;
	[tilespmem:$0x16E00] =	vst v63  }
0x79: {  	_ =	swait.ge [sflag:s29], $0x2000  }
0x7a: {  	[sflag:s29] =	ssyncset.done $0x0  }
.Ltmp0:
0x7b: {  	s28 =	sadd.s32 $0x480, s25;
	[sflag:s29] =	ssyncadd.s32 $0xFFFFE000;
	(pc) =	sbr.rel @p0 .LBB2_2-.Ltmp0, $4  }
0x7c: {  	[tilespmem:s16], [sflag:$0x2] =	stream.indirect.gather [hbm4b:s4+s14], $0x40, s28, s14, $0xb8;
	[tilespmem:$0x16E00] =	vst v63  }
0x7d: {  	_ =	swait.ge [sflag:s31], $0x2000  }
0x7e: {  	[sflag:s31] =	ssyncset.done $0x0  }
0x7f: {  	s25 =	sadd.s32 $0x2B80, s25;
	[sflag:s31] =	ssyncadd.s32 $0xFFFFE000  }
0x80: {  	[spmem:s2] =	stream.indirect.scatter.add.f32 [tilespmem:s21], [sflag:$0x8], $0x40, s25, s14, $0xb8;
	[tilespmem:$0x16E00] =	vst v63  }
0x81: {  	_ =	swait.ge [sflag:s1], $0x2000  }
0x82: {  	[sflag:s1] =	ssyncset.done $0x0  }
0x83: {  	s23 =	simm.s32 $0x2700;
	[sflag:s1] =	ssyncadd.s32 $0xFFFFE000  }
0x84: {  	[tilespmem:s18], [sflag:$0x3] =	stream.indirect.gather [hbm4b:s4+s14], $0x40, s23, s14, $0xb8;
	[tilespmem:$0x16E00] =	vst v63  }
0x85: {  	_ =	swait.ge [sflag:s19], $0x2000  }
0x86: {  	[sflag:s19] =	ssyncset.done $0x0  }
0x87: {  	s28 =	simm.s32 $0x4E00;
	[sflag:s19] =	ssyncadd.s32 $0xFFFFE000  }
0x88: {  	[spmem:s2] =	stream.indirect.scatter.add.f32 [tilespmem:s15], [sflag:$0x5], $0x40, s28, s14, $0xb8;
	[tilespmem:$0x16E00] =	vst v63  }
0x89: {  	_ =	swait.ge [sflag:s17], $0x2000  }
0x8a: {  	[sflag:s17] =	ssyncset.done $0x0  }
0x8b: {  	s25 =	simm.s32 $0x2780;
	[sflag:s17] =	ssyncadd.s32 $0xFFFFE000  }
0x8c: {  	[tilespmem:s21], [sflag:$0x4] =	stream.indirect.gather [hbm4b:s4+s14], $0x40, s25, s14, $0xb8;
	[tilespmem:$0x16E00] =	vst v63  }
0x8d: {  	_ =	swait.ge [sflag:s22], $0x2000  }
0x8e: {  	[sflag:s22] =	ssyncset.done $0x0  }
0x8f: {  	s28 =	simm.s32 $0x4E80;
	[sflag:s22] =	ssyncadd.s32 $0xFFFFE000  }
0x90: {  	[spmem:s2] =	stream.indirect.scatter.add.f32 [tilespmem:s16], [sflag:$0x6], $0x40, s28, s14, $0xb8;
	[tilespmem:$0x16E00] =	vst v63  }
0x91: {  	_ =	swait.ge [sflag:s26], $0x2000  }
0x92: {  	[sflag:s26] =	ssyncset.done $0x0  }
0x93: {  	[sflag:s26] =	ssyncadd.s32 $0xFFFFE000  }
0x94: {  	[spmem:s2] =	stream.indirect.scatter.add.f32 [tilespmem:s18], [sflag:$0x7], $0x40, s30, s14, $0xb8;
	[tilespmem:$0x16E00] =	vst v63  }
0x95: {  	_ =	swait.ge [sflag:s31], $0x2000  }
0x96: {  	[sflag:s31] =	ssyncset.done $0x0  }
0x97: {  	[sflag:s31] =	ssyncadd.s32 $0xFFFFE000  }
0x98: {  	[spmem:s2] =	stream.indirect.scatter.add.f32 [tilespmem:s21], [sflag:$0x8], $0x40, s0, s14, $0xb8;
	[tilespmem:$0x16E00] =	vst v63  }
0x99: {  	_ =	swait.ge [sflag:s24], $0x2000  }
0x9a: {  	[sflag:s24] =	ssyncset.done $0x0  }
0x9b: {  	[sflag:s24] =	ssyncadd.s32 $0xFFFFE000  }
0x9c: {  	_ =	swait.ge [sflag:s29], $0x2000  }
0x9d: {  	[sflag:s29] =	ssyncset.done $0x0  }
0x9e: {  	[sflag:s29] =	ssyncadd.s32 $0xFFFFE000  }
0x9f: {  	_ =	swait.ge [sflag:s1], $0x2000  }
0xa0: {  	[sflag:s1] =	ssyncset.done $0x0  }
0xa1: {  	[sflag:s1] =	ssyncadd.s32 $0xFFFFE000  }
0xa2: {  	_ =	swait.ge [sflag:s17], $0x2000  }
0xa3: {  	s20 =	sadd.s32 $0x1, s20;
	[sflag:s17] =	ssyncset.done $0x0  }
0xa4: {  	p0 =	sne.s32 s20, s9;
	[sflag:s17] =	ssyncadd.s32 $0xFFFFE000  }
.Ltmp1:
0xa5: {  	[bflag:$0x0] =	sbarrier.arrive $0xFFFF;
	(pc) =	sbr.rel @p0 .LBB2_1-.Ltmp1, $4  }
0xa6: {  	[hbm:s8], [sflag:s12] =	dma.local [spmem:s13], $0x13C0  }
0xa7: {  	_ =	swait.ge [sflag:s10], $0x13C0  }
0xa8: {  	[sflag:s10] =	ssyncset.done $0x0  }
0xa9: {  	[sflag:s10] =	ssyncadd.s32 $0xFFFFEC40  }
0xaa: {  	_ =	sfence.sel $0x180000  }
0xab: {  	[bflag:$0x0] =	sbarrier.arrive $0xFFFF  }
0xac: {  	_ =	strace $0x9000004A  }
0xad: {  	s0 =	stileid.u32;
	[bflag:$0x2] =	sbarrier.arrive $0xFFFF  }
0xae: {  	p0 =	sne.s32 s0, $0x0;
	s0 =	rddreg [dreg:$0x3]  }
0xaf: {  	s0 =	sadd.s32 @!p0 $0x100000, s0  }
0xb0: {  	[sflag:s0] =	ssyncadd.tile.s32 @!p0 $0x1;
	_ =	shalt  }
.Lfunc_end2:
_tile_overlayer_lowered:
.L_overlay_start_2:
0xb1: {  	(tag) =	ssettag $0x2  }
0xb2: {  	s0 =	rddreg [dreg:$0x0];
	s2 =	stileid.u32  }
0xb3: {  	s1 =	rddreg [dreg:$0x1];
	p0 =	sne.s32 s2, $0x0  }
0xb4: {  	s3 =	rddreg [dreg:$0x2];
	[bflag:$0x3] =	sbarrier.arrive $0xFFFF;
	s2 =	simm.s32 @!p0 $0x1C09  }
0xb5: {  	[timem:s3], [sflag:s2] =	dma.local @!p0 [hbm:s0], s1  }
0xb6: {  	s0 =	simm.s32 @!p0 $0x9  }
0xb7: {  	_ =	swait.ge @!p0 [sflag:s0], s1  }
0xb8: {  	s1 =	ssub.s32 @!p0 $0x0, s1;
	[sflag:s0] =	ssyncset.done @!p0 $0x0  }
0xb9: {  	[sflag:s0] =	ssyncadd.s32 @!p0 s1  }
0xba: {  	[bflag:$0x3] =	sbarrier.arrive $0xFFFF  }
0xbb: {  	_ =	shalt  }

</sc_bundles>
